<compile_context>
chip_gen: v7x
topology: tpu7x:2x2x1
jax: 0.10.2.dev20260603
libtpu: 0.0.44.dev20260713+nightly
codegen_flags: <defaults>
</compile_context>

<pallas_src>
import functools

import jax
import jax.numpy as jnp
from jax import lax
from jax.experimental import pallas as pl
from jax.experimental.pallas import tpu as pltpu
from jax.experimental.pallas import tpu_sc as plsc

B, S, D = 4, 8192, 1024
NC, NS = 2, 16
NW = NC * NS
SEQ_PER_W = S // NW
C = 32


def _sc_kernel(x_hbm, pos_hbm, out_hbm, pos_v, x_v):
    wid = lax.axis_index("s") * NC + lax.axis_index("c")
    base = wid * SEQ_PER_W

    def chunk_body(ci, carry):
        row0 = base + ci * C
        pltpu.sync_copy(pos_hbm.at[pl.ds(row0, C), :], pos_v)
        for b in range(B):
            pltpu.sync_copy(x_hbm.at[b, pl.ds(row0, C), :], x_v)

            def add_row(r, carry2):
                def add_vec(j, carry3):
                    col = j * 16
                    x_v[r, pl.ds(col, 16)] = (
                        x_v[r, pl.ds(col, 16)] + pos_v[r, pl.ds(col, 16)]
                    )
                    return carry3

                return lax.fori_loop(0, D // 16, add_vec, carry2, unroll=8)

            lax.fori_loop(0, C, add_row, 0)
            pltpu.sync_copy(x_v, out_hbm.at[b, pl.ds(row0, C), :])
        return carry

    lax.fori_loop(0, SEQ_PER_W // C, chunk_body, 0)


def kernel(x, pos_table):
    mesh = plsc.VectorSubcoreMesh(core_axis_name="c", subcore_axis_name="s")
    k = functools.partial(
        pl.kernel,
        mesh=mesh,
        out_type=jax.ShapeDtypeStruct((B, S, D), jnp.float32),
        scratch_types=[
            pltpu.VMEM((C, D), jnp.float32),
            pltpu.VMEM((C, D), jnp.float32),
        ],
    )(_sc_kernel)
    return k(x, pos_table)

# --- scband reference (transcript-rebuilt; emitter-appended) ---
"""Pipeline reference for scband-positional-embedding-90323162235463 (READ-ONLY COPY).

The authoritative reference and input builder live on the scoring server;
editing this copy changes nothing except your own understanding.
"""

import jax, jax.numpy as jnp
import numpy as np

MAX_SEQ_LEN = 8192
D_MODEL = 1024

def setup_inputs(seed: int = 0) -> dict:
    key = jax.random.key(seed)
    k_x, k_tab = jax.random.split(key)
    x = jax.random.normal(k_x, (4, 8192, 1024), dtype=jnp.float32)
    pos_table = jax.random.normal(k_tab, (MAX_SEQ_LEN, D_MODEL), dtype=jnp.float32) * 0.02
    return {"x": x, "pos_table": pos_table}

def reference(x, pos_table):
    batch_size, seq_len, d_model = x.shape
    positions = jnp.arange(seq_len)
    pos_emb = jnp.take(pos_table, positions, axis=0)  # embedding lookup
    return x + pos_emb[None, :, :]

if __name__ == "__main__":
    import jax
    _d = setup_inputs()
    print(jax.jit(kernel)(*tuple(_d.values())))

</pallas_src>

<mosaic_0001>
#map = affine_map<(d0, d1) -> (0, 0, 0)>
#map1 = affine_map<(d0, d1) -> (0, 0)>
module attributes {stable_mosaic.version = 14 : i64} {
  func.func @_sc_kernel(%arg0: i32, %arg1: i32, %arg2: memref<4x8192x1024xf32, #tpu.memory_space<hbm>>, %arg3: memref<8192x1024xf32, #tpu.memory_space<hbm>>, %arg4: memref<4x8192x1024xf32, #tpu.memory_space<hbm>>, %arg5: memref<32x1024xf32, #tpu.memory_space<vmem>>, %arg6: memref<32x1024xf32, #tpu.memory_space<vmem>>) attributes {dimension_semantics = [#tpu.dimension_semantics<core_parallel>, #tpu.dimension_semantics<subcore_parallel>], iteration_bounds = array<i64: 2, 16>, scalar_prefetch = 0 : i64, scratch_operands = 2 : i64, tpu.core_type = #tpu.core_type<sc_vector_subcore>, window_params = [{transform_indices = #map}, {transform_indices = #map1}, {transform_indices = #map}]} {
    %mul3A = arith.constant 2 : i32
    %mul3A_0 = arith.muli %arg1, %mul3A : i32
    %add3A = arith.addi %mul3A_0, %arg0 : i32
    %mul3A_1 = arith.constant 256 : i32
    %mul3A_2 = arith.muli %add3A, %mul3A_1 : i32
    %scan3A = arith.constant 0 : i32
    %scan3A_3 = arith.constant 0 : i32
    %scan3A_4 = arith.constant 8 : i32
    %scan3A_5 = arith.addi %scan3A_3, %scan3A_4 : i32
    %scan3A_6 = arith.constant 1 : i32
    scf.for %scan3A_8 = %scan3A_3 to %scan3A_5 step %scan3A_6  : i32 {
      %mul3A_9 = arith.constant 32 : i32
      %mul3A_10 = arith.muli %scan3A_8, %mul3A_9 : i32
      %add3A_11 = arith.addi %mul3A_2, %mul3A_10 : i32
      "tpu.region"() ({
        %run_scoped3A_43 = tpu.sem_alloc : memref<!tpu.dma_semaphore, #tpu.memory_space<semaphore_mem>>
        %dma_start3A = arith.constant 0 : i32
        %dma_start3A_44 = tpu.memref_slice %arg3[%add3A_11, %dma_start3A] : memref<8192x1024xf32, #tpu.memory_space<hbm>> -> memref<32x1024xf32, #tpu.memory_space<hbm>>
        %dma_start3A_45 = arith.constant 0 : i32
        %dma_start3A_46 = tpu.memref_slice %arg3[%add3A_11, %dma_start3A_45] : memref<8192x1024xf32, #tpu.memory_space<hbm>> -> memref<32x1024xf32, #tpu.memory_space<hbm>>
        tpu.enqueue_dma source(%dma_start3A_46 : memref<32x1024xf32, #tpu.memory_space<hbm>>) target(%arg5 : memref<32x1024xf32, #tpu.memory_space<vmem>>) target_semaphore(%run_scoped3A_43 : memref<!tpu.dma_semaphore, #tpu.memory_space<semaphore_mem>>)
        %dma_wait3A = arith.constant 0 : i32
        %dma_wait3A_47 = tpu.memref_slice %arg3[%add3A_11, %dma_wait3A] : memref<8192x1024xf32, #tpu.memory_space<hbm>> -> memref<32x1024xf32, #tpu.memory_space<hbm>>
        %dma_wait3A_48 = arith.constant 0 : i32
        %dma_wait3A_49 = tpu.memref_slice %arg3[%add3A_11, %dma_wait3A_48] : memref<8192x1024xf32, #tpu.memory_space<hbm>> -> memref<32x1024xf32, #tpu.memory_space<hbm>>
        tpu.wait_dma2 semaphore(%run_scoped3A_43 : memref<!tpu.dma_semaphore, #tpu.memory_space<semaphore_mem>>) src(%dma_wait3A_49 : memref<32x1024xf32, #tpu.memory_space<hbm>>) dst(%arg5 : memref<32x1024xf32, #tpu.memory_space<vmem>>)
        tpu.yield
      }) : () -> ()
      %run_scoped3A = arith.constant 0 : i32
      "tpu.region"() ({
        %run_scoped3A_43 = tpu.sem_alloc : memref<!tpu.dma_semaphore, #tpu.memory_space<semaphore_mem>>
        %dma_start3A = arith.constant 0 : i32
        %dma_start3A_44 = tpu.memref_slice %arg2[%run_scoped3A, %add3A_11, %dma_start3A] : memref<4x8192x1024xf32, #tpu.memory_space<hbm>> -> memref<1x32x1024xf32, #tpu.memory_space<hbm>>
        %dma_start3A_45 = tpu.memref_squeeze %dma_start3A_44 : memref<1x32x1024xf32, #tpu.memory_space<hbm>> -> memref<32x1024xf32, #tpu.memory_space<hbm>>
        %dma_start3A_46 = arith.constant 0 : i32
        %dma_start3A_47 = tpu.memref_slice %arg2[%run_scoped3A, %add3A_11, %dma_start3A_46] : memref<4x8192x1024xf32, #tpu.memory_space<hbm>> -> memref<1x32x1024xf32, #tpu.memory_space<hbm>>
        %dma_start3A_48 = tpu.memref_squeeze %dma_start3A_47 : memref<1x32x1024xf32, #tpu.memory_space<hbm>> -> memref<32x1024xf32, #tpu.memory_space<hbm>>
        tpu.enqueue_dma source(%dma_start3A_48 : memref<32x1024xf32, #tpu.memory_space<hbm>>) target(%arg6 : memref<32x1024xf32, #tpu.memory_space<vmem>>) target_semaphore(%run_scoped3A_43 : memref<!tpu.dma_semaphore, #tpu.memory_space<semaphore_mem>>)
        %dma_wait3A = arith.constant 0 : i32
        %dma_wait3A_49 = tpu.memref_slice %arg2[%run_scoped3A, %add3A_11, %dma_wait3A] : memref<4x8192x1024xf32, #tpu.memory_space<hbm>> -> memref<1x32x1024xf32, #tpu.memory_space<hbm>>
        %dma_wait3A_50 = tpu.memref_squeeze %dma_wait3A_49 : memref<1x32x1024xf32, #tpu.memory_space<hbm>> -> memref<32x1024xf32, #tpu.memory_space<hbm>>
        %dma_wait3A_51 = arith.constant 0 : i32
        %dma_wait3A_52 = tpu.memref_slice %arg2[%run_scoped3A, %add3A_11, %dma_wait3A_51] : memref<4x8192x1024xf32, #tpu.memory_space<hbm>> -> memref<1x32x1024xf32, #tpu.memory_space<hbm>>
        %dma_wait3A_53 = tpu.memref_squeeze %dma_wait3A_52 : memref<1x32x1024xf32, #tpu.memory_space<hbm>> -> memref<32x1024xf32, #tpu.memory_space<hbm>>
        tpu.wait_dma2 semaphore(%run_scoped3A_43 : memref<!tpu.dma_semaphore, #tpu.memory_space<semaphore_mem>>) src(%dma_wait3A_53 : memref<32x1024xf32, #tpu.memory_space<hbm>>) dst(%arg6 : memref<32x1024xf32, #tpu.memory_space<vmem>>)
        tpu.yield
      }) : () -> ()
      %scan3A_12 = arith.constant 0 : i32
      %scan3A_13 = arith.constant 0 : i32
      %scan3A_14 = arith.constant 32 : i32
      %scan3A_15 = arith.addi %scan3A_13, %scan3A_14 : i32
      %scan3A_16 = arith.constant 1 : i32
      scf.for %scan3A_43 = %scan3A_13 to %scan3A_15 step %scan3A_16  : i32 {
        %scan3A_44 = arith.constant 0 : i32
        %scan3A_45 = arith.constant 64 : i32
        %scan3A_46 = arith.addi %scan3A_44, %scan3A_45 : i32
        %scan3A_47 = arith.constant 8 : i32
        scf.for %scan3A_49 = %scan3A_44 to %scan3A_46 step %scan3A_47  : i32 {
          %mul3A_50 = arith.constant 16 : i32
          %mul3A_51 = arith.muli %scan3A_49, %mul3A_50 : i32
          %get3A = arith.index_cast %scan3A_43 : i32 to index
          %get3A_52 = arith.index_cast %mul3A_51 : i32 to index
          %get3A_53 = tpu.vector_load %arg6[%get3A, %get3A_52] {strides = array<i32>} : memref<32x1024xf32, #tpu.memory_space<vmem>>, vector<1x16xf32>,
          %get3A_54 = vector.shape_cast %get3A_53 : vector<1x16xf32> to vector<16xf32>
          %get3A_55 = arith.index_cast %scan3A_43 : i32 to index
          %get3A_56 = arith.index_cast %mul3A_51 : i32 to index
          %get3A_57 = tpu.vector_load %arg5[%get3A_55, %get3A_56] {strides = array<i32>} : memref<32x1024xf32, #tpu.memory_space<vmem>>, vector<1x16xf32>,
          %get3A_58 = vector.shape_cast %get3A_57 : vector<1x16xf32> to vector<16xf32>
          %add3A_59 = arith.addf %get3A_54, %get3A_58 : vector<16xf32>
          %swap3A = arith.index_cast %scan3A_43 : i32 to index
          %swap3A_60 = arith.index_cast %mul3A_51 : i32 to index
          %swap3A_61 = tpu.vector_load %arg6[%swap3A, %swap3A_60] {strides = array<i32>} : memref<32x1024xf32, #tpu.memory_space<vmem>>, vector<1x16xf32>,
          %swap3A_62 = vector.shape_cast %swap3A_61 : vector<1x16xf32> to vector<16xf32>
          %swap3A_63 = vector.shape_cast %add3A_59 : vector<16xf32> to vector<1x16xf32>
          tpu.vector_store %arg6[%swap3A, %swap3A_60], %swap3A_63 {strides = array<i32>} : memref<32x1024xf32, #tpu.memory_space<vmem>>, vector<1x16xf32>,
          %scan3A_64 = arith.constant 1 : i32
          %scan3A_65 = arith.addi %scan3A_49, %scan3A_64 : i32
          %mul3A_66 = arith.constant 16 : i32
          %mul3A_67 = arith.muli %scan3A_65, %mul3A_66 : i32
          %get3A_68 = arith.index_cast %scan3A_43 : i32 to index
          %get3A_69 = arith.index_cast %mul3A_67 : i32 to index
          %get3A_70 = tpu.vector_load %arg6[%get3A_68, %get3A_69] {strides = array<i32>} : memref<32x1024xf32, #tpu.memory_space<vmem>>, vector<1x16xf32>,
          %get3A_71 = vector.shape_cast %get3A_70 : vector<1x16xf32> to vector<16xf32>
          %get3A_72 = arith.index_cast %scan3A_43 : i32 to index
          %get3A_73 = arith.index_cast %mul3A_67 : i32 to index
          %get3A_74 = tpu.vector_load %arg5[%get3A_72, %get3A_73] {strides = array<i32>} : memref<32x1024xf32, #tpu.memory_space<vmem>>, vector<1x16xf32>,
          %get3A_75 = vector.shape_cast %get3A_74 : vector<1x16xf32> to vector<16xf32>
          %add3A_76 = arith.addf %get3A_71, %get3A_75 : vector<16xf32>
          %swap3A_77 = arith.index_cast %scan3A_43 : i32 to index
          %swap3A_78 = arith.index_cast %mul3A_67 : i32 to index
          %swap3A_79 = tpu.vector_load %arg6[%swap3A_77, %swap3A_78] {strides = array<i32>} : memref<32x1024xf32, #tpu.memory_space<vmem>>, vector<1x16xf32>,
          %swap3A_80 = vector.shape_cast %swap3A_79 : vector<1x16xf32> to vector<16xf32>
          %swap3A_81 = vector.shape_cast %add3A_76 : vector<16xf32> to vector<1x16xf32>
          tpu.vector_store %arg6[%swap3A_77, %swap3A_78], %swap3A_81 {strides = array<i32>} : memref<32x1024xf32, #tpu.memory_space<vmem>>, vector<1x16xf32>,
          %scan3A_82 = arith.constant 2 : i32
          %scan3A_83 = arith.addi %scan3A_49, %scan3A_82 : i32
          %mul3A_84 = arith.constant 16 : i32
          %mul3A_85 = arith.muli %scan3A_83, %mul3A_84 : i32
          %get3A_86 = arith.index_cast %scan3A_43 : i32 to index
          %get3A_87 = arith.index_cast %mul3A_85 : i32 to index
          %get3A_88 = tpu.vector_load %arg6[%get3A_86, %get3A_87] {strides = array<i32>} : memref<32x1024xf32, #tpu.memory_space<vmem>>, vector<1x16xf32>,
          %get3A_89 = vector.shape_cast %get3A_88 : vector<1x16xf32> to vector<16xf32>
          %get3A_90 = arith.index_cast %scan3A_43 : i32 to index
          %get3A_91 = arith.index_cast %mul3A_85 : i32 to index
          %get3A_92 = tpu.vector_load %arg5[%get3A_90, %get3A_91] {strides = array<i32>} : memref<32x1024xf32, #tpu.memory_space<vmem>>, vector<1x16xf32>,
          %get3A_93 = vector.shape_cast %get3A_92 : vector<1x16xf32> to vector<16xf32>
          %add3A_94 = arith.addf %get3A_89, %get3A_93 : vector<16xf32>
          %swap3A_95 = arith.index_cast %scan3A_43 : i32 to index
          %swap3A_96 = arith.index_cast %mul3A_85 : i32 to index
          %swap3A_97 = tpu.vector_load %arg6[%swap3A_95, %swap3A_96] {strides = array<i32>} : memref<32x1024xf32, #tpu.memory_space<vmem>>, vector<1x16xf32>,
          %swap3A_98 = vector.shape_cast %swap3A_97 : vector<1x16xf32> to vector<16xf32>
          %swap3A_99 = vector.shape_cast %add3A_94 : vector<16xf32> to vector<1x16xf32>
          tpu.vector_store %arg6[%swap3A_95, %swap3A_96], %swap3A_99 {strides = array<i32>} : memref<32x1024xf32, #tpu.memory_space<vmem>>, vector<1x16xf32>,
          %scan3A_100 = arith.constant 3 : i32
          %scan3A_101 = arith.addi %scan3A_49, %scan3A_100 : i32
          %mul3A_102 = arith.constant 16 : i32
          %mul3A_103 = arith.muli %scan3A_101, %mul3A_102 : i32
          %get3A_104 = arith.index_cast %scan3A_43 : i32 to index
          %get3A_105 = arith.index_cast %mul3A_103 : i32 to index
          %get3A_106 = tpu.vector_load %arg6[%get3A_104, %get3A_105] {strides = array<i32>} : memref<32x1024xf32, #tpu.memory_space<vmem>>, vector<1x16xf32>,
          %get3A_107 = vector.shape_cast %get3A_106 : vector<1x16xf32> to vector<16xf32>
          %get3A_108 = arith.index_cast %scan3A_43 : i32 to index
          %get3A_109 = arith.index_cast %mul3A_103 : i32 to index
          %get3A_110 = tpu.vector_load %arg5[%get3A_108, %get3A_109] {strides = array<i32>} : memref<32x1024xf32, #tpu.memory_space<vmem>>, vector<1x16xf32>,
          %get3A_111 = vector.shape_cast %get3A_110 : vector<1x16xf32> to vector<16xf32>
          %add3A_112 = arith.addf %get3A_107, %get3A_111 : vector<16xf32>
          %swap3A_113 = arith.index_cast %scan3A_43 : i32 to index
          %swap3A_114 = arith.index_cast %mul3A_103 : i32 to index
          %swap3A_115 = tpu.vector_load %arg6[%swap3A_113, %swap3A_114] {strides = array<i32>} : memref<32x1024xf32, #tpu.memory_space<vmem>>, vector<1x16xf32>,
          %swap3A_116 = vector.shape_cast %swap3A_115 : vector<1x16xf32> to vector<16xf32>
          %swap3A_117 = vector.shape_cast %add3A_112 : vector<16xf32> to vector<1x16xf32>
          tpu.vector_store %arg6[%swap3A_113, %swap3A_114], %swap3A_117 {strides = array<i32>} : memref<32x1024xf32, #tpu.memory_space<vmem>>, vector<1x16xf32>,
          %scan3A_118 = arith.constant 4 : i32
          %scan3A_119 = arith.addi %scan3A_49, %scan3A_118 : i32
          %mul3A_120 = arith.constant 16 : i32
          %mul3A_121 = arith.muli %scan3A_119, %mul3A_120 : i32
          %get3A_122 = arith.index_cast %scan3A_43 : i32 to index
          %get3A_123 = arith.index_cast %mul3A_121 : i32 to index
          %get3A_124 = tpu.vector_load %arg6[%get3A_122, %get3A_123] {strides = array<i32>} : memref<32x1024xf32, #tpu.memory_space<vmem>>, vector<1x16xf32>,
          %get3A_125 = vector.shape_cast %get3A_124 : vector<1x16xf32> to vector<16xf32>
          %get3A_126 = arith.index_cast %scan3A_43 : i32 to index
          %get3A_127 = arith.index_cast %mul3A_121 : i32 to index
          %get3A_128 = tpu.vector_load %arg5[%get3A_126, %get3A_127] {strides = array<i32>} : memref<32x1024xf32, #tpu.memory_space<vmem>>, vector<1x16xf32>,
          %get3A_129 = vector.shape_cast %get3A_128 : vector<1x16xf32> to vector<16xf32>
          %add3A_130 = arith.addf %get3A_125, %get3A_129 : vector<16xf32>
          %swap3A_131 = arith.index_cast %scan3A_43 : i32 to index
          %swap3A_132 = arith.index_cast %mul3A_121 : i32 to index
          %swap3A_133 = tpu.vector_load %arg6[%swap3A_131, %swap3A_132] {strides = array<i32>} : memref<32x1024xf32, #tpu.memory_space<vmem>>, vector<1x16xf32>,
          %swap3A_134 = vector.shape_cast %swap3A_133 : vector<1x16xf32> to vector<16xf32>
          %swap3A_135 = vector.shape_cast %add3A_130 : vector<16xf32> to vector<1x16xf32>
          tpu.vector_store %arg6[%swap3A_131, %swap3A_132], %swap3A_135 {strides = array<i32>} : memref<32x1024xf32, #tpu.memory_space<vmem>>, vector<1x16xf32>,
          %scan3A_136 = arith.constant 5 : i32
          %scan3A_137 = arith.addi %scan3A_49, %scan3A_136 : i32
          %mul3A_138 = arith.constant 16 : i32
          %mul3A_139 = arith.muli %scan3A_137, %mul3A_138 : i32
          %get3A_140 = arith.index_cast %scan3A_43 : i32 to index
          %get3A_141 = arith.index_cast %mul3A_139 : i32 to index
          %get3A_142 = tpu.vector_load %arg6[%get3A_140, %get3A_141] {strides = array<i32>} : memref<32x1024xf32, #tpu.memory_space<vmem>>, vector<1x16xf32>,
          %get3A_143 = vector.shape_cast %get3A_142 : vector<1x16xf32> to vector<16xf32>
          %get3A_144 = arith.index_cast %scan3A_43 : i32 to index
          %get3A_145 = arith.index_cast %mul3A_139 : i32 to index
          %get3A_146 = tpu.vector_load %arg5[%get3A_144, %get3A_145] {strides = array<i32>} : memref<32x1024xf32, #tpu.memory_space<vmem>>, vector<1x16xf32>,
          %get3A_147 = vector.shape_cast %get3A_146 : vector<1x16xf32> to vector<16xf32>
          %add3A_148 = arith.addf %get3A_143, %get3A_147 : vector<16xf32>
          %swap3A_149 = arith.index_cast %scan3A_43 : i32 to index
          %swap3A_150 = arith.index_cast %mul3A_139 : i32 to index
          %swap3A_151 = tpu.vector_load %arg6[%swap3A_149, %swap3A_150] {strides = array<i32>} : memref<32x1024xf32, #tpu.memory_space<vmem>>, vector<1x16xf32>,
          %swap3A_152 = vector.shape_cast %swap3A_151 : vector<1x16xf32> to vector<16xf32>
          %swap3A_153 = vector.shape_cast %add3A_148 : vector<16xf32> to vector<1x16xf32>
          tpu.vector_store %arg6[%swap3A_149, %swap3A_150], %swap3A_153 {strides = array<i32>} : memref<32x1024xf32, #tpu.memory_space<vmem>>, vector<1x16xf32>,
          %scan3A_154 = arith.constant 6 : i32
          %scan3A_155 = arith.addi %scan3A_49, %scan3A_154 : i32
          %mul3A_156 = arith.constant 16 : i32
          %mul3A_157 = arith.muli %scan3A_155, %mul3A_156 : i32
          %get3A_158 = arith.index_cast %scan3A_43 : i32 to index
          %get3A_159 = arith.index_cast %mul3A_157 : i32 to index
          %get3A_160 = tpu.vector_load %arg6[%get3A_158, %get3A_159] {strides = array<i32>} : memref<32x1024xf32, #tpu.memory_space<vmem>>, vector<1x16xf32>,
          %get3A_161 = vector.shape_cast %get3A_160 : vector<1x16xf32> to vector<16xf32>
          %get3A_162 = arith.index_cast %scan3A_43 : i32 to index
          %get3A_163 = arith.index_cast %mul3A_157 : i32 to index
          %get3A_164 = tpu.vector_load %arg5[%get3A_162, %get3A_163] {strides = array<i32>} : memref<32x1024xf32, #tpu.memory_space<vmem>>, vector<1x16xf32>,
          %get3A_165 = vector.shape_cast %get3A_164 : vector<1x16xf32> to vector<16xf32>
          %add3A_166 = arith.addf %get3A_161, %get3A_165 : vector<16xf32>
          %swap3A_167 = arith.index_cast %scan3A_43 : i32 to index
          %swap3A_168 = arith.index_cast %mul3A_157 : i32 to index
          %swap3A_169 = tpu.vector_load %arg6[%swap3A_167, %swap3A_168] {strides = array<i32>} : memref<32x1024xf32, #tpu.memory_space<vmem>>, vector<1x16xf32>,
          %swap3A_170 = vector.shape_cast %swap3A_169 : vector<1x16xf32> to vector<16xf32>
          %swap3A_171 = vector.shape_cast %add3A_166 : vector<16xf32> to vector<1x16xf32>
          tpu.vector_store %arg6[%swap3A_167, %swap3A_168], %swap3A_171 {strides = array<i32>} : memref<32x1024xf32, #tpu.memory_space<vmem>>, vector<1x16xf32>,
          %scan3A_172 = arith.constant 7 : i32
          %scan3A_173 = arith.addi %scan3A_49, %scan3A_172 : i32
          %mul3A_174 = arith.constant 16 : i32
          %mul3A_175 = arith.muli %scan3A_173, %mul3A_174 : i32
          %get3A_176 = arith.index_cast %scan3A_43 : i32 to index
          %get3A_177 = arith.index_cast %mul3A_175 : i32 to index
          %get3A_178 = tpu.vector_load %arg6[%get3A_176, %get3A_177] {strides = array<i32>} : memref<32x1024xf32, #tpu.memory_space<vmem>>, vector<1x16xf32>,
          %get3A_179 = vector.shape_cast %get3A_178 : vector<1x16xf32> to vector<16xf32>
          %get3A_180 = arith.index_cast %scan3A_43 : i32 to index
          %get3A_181 = arith.index_cast %mul3A_175 : i32 to index
          %get3A_182 = tpu.vector_load %arg5[%get3A_180, %get3A_181] {strides = array<i32>} : memref<32x1024xf32, #tpu.memory_space<vmem>>, vector<1x16xf32>,
          %get3A_183 = vector.shape_cast %get3A_182 : vector<1x16xf32> to vector<16xf32>
          %add3A_184 = arith.addf %get3A_179, %get3A_183 : vector<16xf32>
          %swap3A_185 = arith.index_cast %scan3A_43 : i32 to index
          %swap3A_186 = arith.index_cast %mul3A_175 : i32 to index
          %swap3A_187 = tpu.vector_load %arg6[%swap3A_185, %swap3A_186] {strides = array<i32>} : memref<32x1024xf32, #tpu.memory_space<vmem>>, vector<1x16xf32>,
          %swap3A_188 = vector.shape_cast %swap3A_187 : vector<1x16xf32> to vector<16xf32>
          %swap3A_189 = vector.shape_cast %add3A_184 : vector<16xf32> to vector<1x16xf32>
          tpu.vector_store %arg6[%swap3A_185, %swap3A_186], %swap3A_189 {strides = array<i32>} : memref<32x1024xf32, #tpu.memory_space<vmem>>, vector<1x16xf32>,
        }
        %scan3A_48 = arith.constant 64 : i32
      }
      %scan3A_17 = arith.constant 32 : i32
      %run_scoped3A_18 = arith.constant 0 : i32
      "tpu.region"() ({
        %run_scoped3A_43 = tpu.sem_alloc : memref<!tpu.dma_semaphore, #tpu.memory_space<semaphore_mem>>
        %dma_start3A = arith.constant 0 : i32
        %dma_start3A_44 = tpu.memref_slice %arg4[%run_scoped3A_18, %add3A_11, %dma_start3A] : memref<4x8192x1024xf32, #tpu.memory_space<hbm>> -> memref<1x32x1024xf32, #tpu.memory_space<hbm>>
        %dma_start3A_45 = tpu.memref_squeeze %dma_start3A_44 : memref<1x32x1024xf32, #tpu.memory_space<hbm>> -> memref<32x1024xf32, #tpu.memory_space<hbm>>
        %dma_start3A_46 = arith.constant 0 : i32
        %dma_start3A_47 = tpu.memref_slice %arg4[%run_scoped3A_18, %add3A_11, %dma_start3A_46] : memref<4x8192x1024xf32, #tpu.memory_space<hbm>> -> memref<1x32x1024xf32, #tpu.memory_space<hbm>>
        %dma_start3A_48 = tpu.memref_squeeze %dma_start3A_47 : memref<1x32x1024xf32, #tpu.memory_space<hbm>> -> memref<32x1024xf32, #tpu.memory_space<hbm>>
        tpu.enqueue_dma source(%arg6 : memref<32x1024xf32, #tpu.memory_space<vmem>>) target(%dma_start3A_48 : memref<32x1024xf32, #tpu.memory_space<hbm>>) target_semaphore(%run_scoped3A_43 : memref<!tpu.dma_semaphore, #tpu.memory_space<semaphore_mem>>)
        %dma_wait3A = arith.constant 0 : i32
        %dma_wait3A_49 = tpu.memref_slice %arg4[%run_scoped3A_18, %add3A_11, %dma_wait3A] : memref<4x8192x1024xf32, #tpu.memory_space<hbm>> -> memref<1x32x1024xf32, #tpu.memory_space<hbm>>
        %dma_wait3A_50 = tpu.memref_squeeze %dma_wait3A_49 : memref<1x32x1024xf32, #tpu.memory_space<hbm>> -> memref<32x1024xf32, #tpu.memory_space<hbm>>
        %dma_wait3A_51 = arith.constant 0 : i32
        %dma_wait3A_52 = tpu.memref_slice %arg4[%run_scoped3A_18, %add3A_11, %dma_wait3A_51] : memref<4x8192x1024xf32, #tpu.memory_space<hbm>> -> memref<1x32x1024xf32, #tpu.memory_space<hbm>>
        %dma_wait3A_53 = tpu.memref_squeeze %dma_wait3A_52 : memref<1x32x1024xf32, #tpu.memory_space<hbm>> -> memref<32x1024xf32, #tpu.memory_space<hbm>>
        tpu.wait_dma2 semaphore(%run_scoped3A_43 : memref<!tpu.dma_semaphore, #tpu.memory_space<semaphore_mem>>) src(%arg6 : memref<32x1024xf32, #tpu.memory_space<vmem>>) dst(%dma_wait3A_53 : memref<32x1024xf32, #tpu.memory_space<hbm>>)
        tpu.yield
      }) : () -> ()
      %run_scoped3A_19 = arith.constant 1 : i32
      "tpu.region"() ({
        %run_scoped3A_43 = tpu.sem_alloc : memref<!tpu.dma_semaphore, #tpu.memory_space<semaphore_mem>>
        %dma_start3A = arith.constant 0 : i32
        %dma_start3A_44 = tpu.memref_slice %arg2[%run_scoped3A_19, %add3A_11, %dma_start3A] : memref<4x8192x1024xf32, #tpu.memory_space<hbm>> -> memref<1x32x1024xf32, #tpu.memory_space<hbm>>
        %dma_start3A_45 = tpu.memref_squeeze %dma_start3A_44 : memref<1x32x1024xf32, #tpu.memory_space<hbm>> -> memref<32x1024xf32, #tpu.memory_space<hbm>>
        %dma_start3A_46 = arith.constant 0 : i32
        %dma_start3A_47 = tpu.memref_slice %arg2[%run_scoped3A_19, %add3A_11, %dma_start3A_46] : memref<4x8192x1024xf32, #tpu.memory_space<hbm>> -> memref<1x32x1024xf32, #tpu.memory_space<hbm>>
        %dma_start3A_48 = tpu.memref_squeeze %dma_start3A_47 : memref<1x32x1024xf32, #tpu.memory_space<hbm>> -> memref<32x1024xf32, #tpu.memory_space<hbm>>
        tpu.enqueue_dma source(%dma_start3A_48 : memref<32x1024xf32, #tpu.memory_space<hbm>>) target(%arg6 : memref<32x1024xf32, #tpu.memory_space<vmem>>) target_semaphore(%run_scoped3A_43 : memref<!tpu.dma_semaphore, #tpu.memory_space<semaphore_mem>>)
        %dma_wait3A = arith.constant 0 : i32
        %dma_wait3A_49 = tpu.memref_slice %arg2[%run_scoped3A_19, %add3A_11, %dma_wait3A] : memref<4x8192x1024xf32, #tpu.memory_space<hbm>> -> memref<1x32x1024xf32, #tpu.memory_space<hbm>>
        %dma_wait3A_50 = tpu.memref_squeeze %dma_wait3A_49 : memref<1x32x1024xf32, #tpu.memory_space<hbm>> -> memref<32x1024xf32, #tpu.memory_space<hbm>>
        %dma_wait3A_51 = arith.constant 0 : i32
        %dma_wait3A_52 = tpu.memref_slice %arg2[%run_scoped3A_19, %add3A_11, %dma_wait3A_51] : memref<4x8192x1024xf32, #tpu.memory_space<hbm>> -> memref<1x32x1024xf32, #tpu.memory_space<hbm>>
        %dma_wait3A_53 = tpu.memref_squeeze %dma_wait3A_52 : memref<1x32x1024xf32, #tpu.memory_space<hbm>> -> memref<32x1024xf32, #tpu.memory_space<hbm>>
        tpu.wait_dma2 semaphore(%run_scoped3A_43 : memref<!tpu.dma_semaphore, #tpu.memory_space<semaphore_mem>>) src(%dma_wait3A_53 : memref<32x1024xf32, #tpu.memory_space<hbm>>) dst(%arg6 : memref<32x1024xf32, #tpu.memory_space<vmem>>)
        tpu.yield
      }) : () -> ()
      %scan3A_20 = arith.constant 0 : i32
      %scan3A_21 = arith.constant 0 : i32
      %scan3A_22 = arith.constant 32 : i32
      %scan3A_23 = arith.addi %scan3A_21, %scan3A_22 : i32
      %scan3A_24 = arith.constant 1 : i32
      scf.for %scan3A_43 = %scan3A_21 to %scan3A_23 step %scan3A_24  : i32 {
        %scan3A_44 = arith.constant 0 : i32
        %scan3A_45 = arith.constant 64 : i32
        %scan3A_46 = arith.addi %scan3A_44, %scan3A_45 : i32
        %scan3A_47 = arith.constant 8 : i32
        scf.for %scan3A_49 = %scan3A_44 to %scan3A_46 step %scan3A_47  : i32 {
          %mul3A_50 = arith.constant 16 : i32
          %mul3A_51 = arith.muli %scan3A_49, %mul3A_50 : i32
          %get3A = arith.index_cast %scan3A_43 : i32 to index
          %get3A_52 = arith.index_cast %mul3A_51 : i32 to index
          %get3A_53 = tpu.vector_load %arg6[%get3A, %get3A_52] {strides = array<i32>} : memref<32x1024xf32, #tpu.memory_space<vmem>>, vector<1x16xf32>,
          %get3A_54 = vector.shape_cast %get3A_53 : vector<1x16xf32> to vector<16xf32>
          %get3A_55 = arith.index_cast %scan3A_43 : i32 to index
          %get3A_56 = arith.index_cast %mul3A_51 : i32 to index
          %get3A_57 = tpu.vector_load %arg5[%get3A_55, %get3A_56] {strides = array<i32>} : memref<32x1024xf32, #tpu.memory_space<vmem>>, vector<1x16xf32>,
          %get3A_58 = vector.shape_cast %get3A_57 : vector<1x16xf32> to vector<16xf32>
          %add3A_59 = arith.addf %get3A_54, %get3A_58 : vector<16xf32>
          %swap3A = arith.index_cast %scan3A_43 : i32 to index
          %swap3A_60 = arith.index_cast %mul3A_51 : i32 to index
          %swap3A_61 = tpu.vector_load %arg6[%swap3A, %swap3A_60] {strides = array<i32>} : memref<32x1024xf32, #tpu.memory_space<vmem>>, vector<1x16xf32>,
          %swap3A_62 = vector.shape_cast %swap3A_61 : vector<1x16xf32> to vector<16xf32>
          %swap3A_63 = vector.shape_cast %add3A_59 : vector<16xf32> to vector<1x16xf32>
          tpu.vector_store %arg6[%swap3A, %swap3A_60], %swap3A_63 {strides = array<i32>} : memref<32x1024xf32, #tpu.memory_space<vmem>>, vector<1x16xf32>,
          %scan3A_64 = arith.constant 1 : i32
          %scan3A_65 = arith.addi %scan3A_49, %scan3A_64 : i32
          %mul3A_66 = arith.constant 16 : i32
          %mul3A_67 = arith.muli %scan3A_65, %mul3A_66 : i32
          %get3A_68 = arith.index_cast %scan3A_43 : i32 to index
          %get3A_69 = arith.index_cast %mul3A_67 : i32 to index
          %get3A_70 = tpu.vector_load %arg6[%get3A_68, %get3A_69] {strides = array<i32>} : memref<32x1024xf32, #tpu.memory_space<vmem>>, vector<1x16xf32>,
          %get3A_71 = vector.shape_cast %get3A_70 : vector<1x16xf32> to vector<16xf32>
          %get3A_72 = arith.index_cast %scan3A_43 : i32 to index
          %get3A_73 = arith.index_cast %mul3A_67 : i32 to index
          %get3A_74 = tpu.vector_load %arg5[%get3A_72, %get3A_73] {strides = array<i32>} : memref<32x1024xf32, #tpu.memory_space<vmem>>, vector<1x16xf32>,
          %get3A_75 = vector.shape_cast %get3A_74 : vector<1x16xf32> to vector<16xf32>
          %add3A_76 = arith.addf %get3A_71, %get3A_75 : vector<16xf32>
          %swap3A_77 = arith.index_cast %scan3A_43 : i32 to index
          %swap3A_78 = arith.index_cast %mul3A_67 : i32 to index
          %swap3A_79 = tpu.vector_load %arg6[%swap3A_77, %swap3A_78] {strides = array<i32>} : memref<32x1024xf32, #tpu.memory_space<vmem>>, vector<1x16xf32>,
          %swap3A_80 = vector.shape_cast %swap3A_79 : vector<1x16xf32> to vector<16xf32>
          %swap3A_81 = vector.shape_cast %add3A_76 : vector<16xf32> to vector<1x16xf32>
          tpu.vector_store %arg6[%swap3A_77, %swap3A_78], %swap3A_81 {strides = array<i32>} : memref<32x1024xf32, #tpu.memory_space<vmem>>, vector<1x16xf32>,
          %scan3A_82 = arith.constant 2 : i32
          %scan3A_83 = arith.addi %scan3A_49, %scan3A_82 : i32
          %mul3A_84 = arith.constant 16 : i32
          %mul3A_85 = arith.muli %scan3A_83, %mul3A_84 : i32
          %get3A_86 = arith.index_cast %scan3A_43 : i32 to index
          %get3A_87 = arith.index_cast %mul3A_85 : i32 to index
          %get3A_88 = tpu.vector_load %arg6[%get3A_86, %get3A_87] {strides = array<i32>} : memref<32x1024xf32, #tpu.memory_space<vmem>>, vector<1x16xf32>,
          %get3A_89 = vector.shape_cast %get3A_88 : vector<1x16xf32> to vector<16xf32>
          %get3A_90 = arith.index_cast %scan3A_43 : i32 to index
          %get3A_91 = arith.index_cast %mul3A_85 : i32 to index
          %get3A_92 = tpu.vector_load %arg5[%get3A_90, %get3A_91] {strides = array<i32>} : memref<32x1024xf32, #tpu.memory_space<vmem>>, vector<1x16xf32>,
          %get3A_93 = vector.shape_cast %get3A_92 : vector<1x16xf32> to vector<16xf32>
          %add3A_94 = arith.addf %get3A_89, %get3A_93 : vector<16xf32>
          %swap3A_95 = arith.index_cast %scan3A_43 : i32 to index
          %swap3A_96 = arith.index_cast %mul3A_85 : i32 to index
          %swap3A_97 = tpu.vector_load %arg6[%swap3A_95, %swap3A_96] {strides = array<i32>} : memref<32x1024xf32, #tpu.memory_space<vmem>>, vector<1x16xf32>,
          %swap3A_98 = vector.shape_cast %swap3A_97 : vector<1x16xf32> to vector<16xf32>
          %swap3A_99 = vector.shape_cast %add3A_94 : vector<16xf32> to vector<1x16xf32>
          tpu.vector_store %arg6[%swap3A_95, %swap3A_96], %swap3A_99 {strides = array<i32>} : memref<32x1024xf32, #tpu.memory_space<vmem>>, vector<1x16xf32>,
          %scan3A_100 = arith.constant 3 : i32
          %scan3A_101 = arith.addi %scan3A_49, %scan3A_100 : i32
          %mul3A_102 = arith.constant 16 : i32
          %mul3A_103 = arith.muli %scan3A_101, %mul3A_102 : i32
          %get3A_104 = arith.index_cast %scan3A_43 : i32 to index
          %get3A_105 = arith.index_cast %mul3A_103 : i32 to index
          %get3A_106 = tpu.vector_load %arg6[%get3A_104, %get3A_105] {strides = array<i32>} : memref<32x1024xf32, #tpu.memory_space<vmem>>, vector<1x16xf32>,
          %get3A_107 = vector.shape_cast %get3A_106 : vector<1x16xf32> to vector<16xf32>
          %get3A_108 = arith.index_cast %scan3A_43 : i32 to index
          %get3A_109 = arith.index_cast %mul3A_103 : i32 to index
          %get3A_110 = tpu.vector_load %arg5[%get3A_108, %get3A_109] {strides = array<i32>} : memref<32x1024xf32, #tpu.memory_space<vmem>>, vector<1x16xf32>,
          %get3A_111 = vector.shape_cast %get3A_110 : vector<1x16xf32> to vector<16xf32>
          %add3A_112 = arith.addf %get3A_107, %get3A_111 : vector<16xf32>
          %swap3A_113 = arith.index_cast %scan3A_43 : i32 to index
          %swap3A_114 = arith.index_cast %mul3A_103 : i32 to index
          %swap3A_115 = tpu.vector_load %arg6[%swap3A_113, %swap3A_114] {strides = array<i32>} : memref<32x1024xf32, #tpu.memory_space<vmem>>, vector<1x16xf32>,
          %swap3A_116 = vector.shape_cast %swap3A_115 : vector<1x16xf32> to vector<16xf32>
          %swap3A_117 = vector.shape_cast %add3A_112 : vector<16xf32> to vector<1x16xf32>
          tpu.vector_store %arg6[%swap3A_113, %swap3A_114], %swap3A_117 {strides = array<i32>} : memref<32x1024xf32, #tpu.memory_space<vmem>>, vector<1x16xf32>,
          %scan3A_118 = arith.constant 4 : i32
          %scan3A_119 = arith.addi %scan3A_49, %scan3A_118 : i32
          %mul3A_120 = arith.constant 16 : i32
          %mul3A_121 = arith.muli %scan3A_119, %mul3A_120 : i32
          %get3A_122 = arith.index_cast %scan3A_43 : i32 to index
          %get3A_123 = arith.index_cast %mul3A_121 : i32 to index
          %get3A_124 = tpu.vector_load %arg6[%get3A_122, %get3A_123] {strides = array<i32>} : memref<32x1024xf32, #tpu.memory_space<vmem>>, vector<1x16xf32>,
          %get3A_125 = vector.shape_cast %get3A_124 : vector<1x16xf32> to vector<16xf32>
          %get3A_126 = arith.index_cast %scan3A_43 : i32 to index
          %get3A_127 = arith.index_cast %mul3A_121 : i32 to index
          %get3A_128 = tpu.vector_load %arg5[%get3A_126, %get3A_127] {strides = array<i32>} : memref<32x1024xf32, #tpu.memory_space<vmem>>, vector<1x16xf32>,
          %get3A_129 = vector.shape_cast %get3A_128 : vector<1x16xf32> to vector<16xf32>
          %add3A_130 = arith.addf %get3A_125, %get3A_129 : vector<16xf32>
          %swap3A_131 = arith.index_cast %scan3A_43 : i32 to index
          %swap3A_132 = arith.index_cast %mul3A_121 : i32 to index
          %swap3A_133 = tpu.vector_load %arg6[%swap3A_131, %swap3A_132] {strides = array<i32>} : memref<32x1024xf32, #tpu.memory_space<vmem>>, vector<1x16xf32>,
          %swap3A_134 = vector.shape_cast %swap3A_133 : vector<1x16xf32> to vector<16xf32>
          %swap3A_135 = vector.shape_cast %add3A_130 : vector<16xf32> to vector<1x16xf32>
          tpu.vector_store %arg6[%swap3A_131, %swap3A_132], %swap3A_135 {strides = array<i32>} : memref<32x1024xf32, #tpu.memory_space<vmem>>, vector<1x16xf32>,
          %scan3A_136 = arith.constant 5 : i32
          %scan3A_137 = arith.addi %scan3A_49, %scan3A_136 : i32
          %mul3A_138 = arith.constant 16 : i32
          %mul3A_139 = arith.muli %scan3A_137, %mul3A_138 : i32
          %get3A_140 = arith.index_cast %scan3A_43 : i32 to index
          %get3A_141 = arith.index_cast %mul3A_139 : i32 to index
          %get3A_142 = tpu.vector_load %arg6[%get3A_140, %get3A_141] {strides = array<i32>} : memref<32x1024xf32, #tpu.memory_space<vmem>>, vector<1x16xf32>,
          %get3A_143 = vector.shape_cast %get3A_142 : vector<1x16xf32> to vector<16xf32>
          %get3A_144 = arith.index_cast %scan3A_43 : i32 to index
          %get3A_145 = arith.index_cast %mul3A_139 : i32 to index
          %get3A_146 = tpu.vector_load %arg5[%get3A_144, %get3A_145] {strides = array<i32>} : memref<32x1024xf32, #tpu.memory_space<vmem>>, vector<1x16xf32>,
          %get3A_147 = vector.shape_cast %get3A_146 : vector<1x16xf32> to vector<16xf32>
          %add3A_148 = arith.addf %get3A_143, %get3A_147 : vector<16xf32>
          %swap3A_149 = arith.index_cast %scan3A_43 : i32 to index
          %swap3A_150 = arith.index_cast %mul3A_139 : i32 to index
          %swap3A_151 = tpu.vector_load %arg6[%swap3A_149, %swap3A_150] {strides = array<i32>} : memref<32x1024xf32, #tpu.memory_space<vmem>>, vector<1x16xf32>,
          %swap3A_152 = vector.shape_cast %swap3A_151 : vector<1x16xf32> to vector<16xf32>
          %swap3A_153 = vector.shape_cast %add3A_148 : vector<16xf32> to vector<1x16xf32>
          tpu.vector_store %arg6[%swap3A_149, %swap3A_150], %swap3A_153 {strides = array<i32>} : memref<32x1024xf32, #tpu.memory_space<vmem>>, vector<1x16xf32>,
          %scan3A_154 = arith.constant 6 : i32
          %scan3A_155 = arith.addi %scan3A_49, %scan3A_154 : i32
          %mul3A_156 = arith.constant 16 : i32
          %mul3A_157 = arith.muli %scan3A_155, %mul3A_156 : i32
          %get3A_158 = arith.index_cast %scan3A_43 : i32 to index
          %get3A_159 = arith.index_cast %mul3A_157 : i32 to index
          %get3A_160 = tpu.vector_load %arg6[%get3A_158, %get3A_159] {strides = array<i32>} : memref<32x1024xf32, #tpu.memory_space<vmem>>, vector<1x16xf32>,
          %get3A_161 = vector.shape_cast %get3A_160 : vector<1x16xf32> to vector<16xf32>
          %get3A_162 = arith.index_cast %scan3A_43 : i32 to index
          %get3A_163 = arith.index_cast %mul3A_157 : i32 to index
          %get3A_164 = tpu.vector_load %arg5[%get3A_162, %get3A_163] {strides = array<i32>} : memref<32x1024xf32, #tpu.memory_space<vmem>>, vector<1x16xf32>,
          %get3A_165 = vector.shape_cast %get3A_164 : vector<1x16xf32> to vector<16xf32>
          %add3A_166 = arith.addf %get3A_161, %get3A_165 : vector<16xf32>
          %swap3A_167 = arith.index_cast %scan3A_43 : i32 to index
          %swap3A_168 = arith.index_cast %mul3A_157 : i32 to index
          %swap3A_169 = tpu.vector_load %arg6[%swap3A_167, %swap3A_168] {strides = array<i32>} : memref<32x1024xf32, #tpu.memory_space<vmem>>, vector<1x16xf32>,
          %swap3A_170 = vector.shape_cast %swap3A_169 : vector<1x16xf32> to vector<16xf32>
          %swap3A_171 = vector.shape_cast %add3A_166 : vector<16xf32> to vector<1x16xf32>
          tpu.vector_store %arg6[%swap3A_167, %swap3A_168], %swap3A_171 {strides = array<i32>} : memref<32x1024xf32, #tpu.memory_space<vmem>>, vector<1x16xf32>,
          %scan3A_172 = arith.constant 7 : i32
          %scan3A_173 = arith.addi %scan3A_49, %scan3A_172 : i32
          %mul3A_174 = arith.constant 16 : i32
          %mul3A_175 = arith.muli %scan3A_173, %mul3A_174 : i32
          %get3A_176 = arith.index_cast %scan3A_43 : i32 to index
          %get3A_177 = arith.index_cast %mul3A_175 : i32 to index
          %get3A_178 = tpu.vector_load %arg6[%get3A_176, %get3A_177] {strides = array<i32>} : memref<32x1024xf32, #tpu.memory_space<vmem>>, vector<1x16xf32>,
          %get3A_179 = vector.shape_cast %get3A_178 : vector<1x16xf32> to vector<16xf32>
          %get3A_180 = arith.index_cast %scan3A_43 : i32 to index
          %get3A_181 = arith.index_cast %mul3A_175 : i32 to index
          %get3A_182 = tpu.vector_load %arg5[%get3A_180, %get3A_181] {strides = array<i32>} : memref<32x1024xf32, #tpu.memory_space<vmem>>, vector<1x16xf32>,
          %get3A_183 = vector.shape_cast %get3A_182 : vector<1x16xf32> to vector<16xf32>
          %add3A_184 = arith.addf %get3A_179, %get3A_183 : vector<16xf32>
          %swap3A_185 = arith.index_cast %scan3A_43 : i32 to index
          %swap3A_186 = arith.index_cast %mul3A_175 : i32 to index
          %swap3A_187 = tpu.vector_load %arg6[%swap3A_185, %swap3A_186] {strides = array<i32>} : memref<32x1024xf32, #tpu.memory_space<vmem>>, vector<1x16xf32>,
          %swap3A_188 = vector.shape_cast %swap3A_187 : vector<1x16xf32> to vector<16xf32>
          %swap3A_189 = vector.shape_cast %add3A_184 : vector<16xf32> to vector<1x16xf32>
          tpu.vector_store %arg6[%swap3A_185, %swap3A_186], %swap3A_189 {strides = array<i32>} : memref<32x1024xf32, #tpu.memory_space<vmem>>, vector<1x16xf32>,
        }
        %scan3A_48 = arith.constant 64 : i32
      }
      %scan3A_25 = arith.constant 32 : i32
      %run_scoped3A_26 = arith.constant 1 : i32
      "tpu.region"() ({
        %run_scoped3A_43 = tpu.sem_alloc : memref<!tpu.dma_semaphore, #tpu.memory_space<semaphore_mem>>
        %dma_start3A = arith.constant 0 : i32
        %dma_start3A_44 = tpu.memref_slice %arg4[%run_scoped3A_26, %add3A_11, %dma_start3A] : memref<4x8192x1024xf32, #tpu.memory_space<hbm>> -> memref<1x32x1024xf32, #tpu.memory_space<hbm>>
        %dma_start3A_45 = tpu.memref_squeeze %dma_start3A_44 : memref<1x32x1024xf32, #tpu.memory_space<hbm>> -> memref<32x1024xf32, #tpu.memory_space<hbm>>
        %dma_start3A_46 = arith.constant 0 : i32
        %dma_start3A_47 = tpu.memref_slice %arg4[%run_scoped3A_26, %add3A_11, %dma_start3A_46] : memref<4x8192x1024xf32, #tpu.memory_space<hbm>> -> memref<1x32x1024xf32, #tpu.memory_space<hbm>>
        %dma_start3A_48 = tpu.memref_squeeze %dma_start3A_47 : memref<1x32x1024xf32, #tpu.memory_space<hbm>> -> memref<32x1024xf32, #tpu.memory_space<hbm>>
        tpu.enqueue_dma source(%arg6 : memref<32x1024xf32, #tpu.memory_space<vmem>>) target(%dma_start3A_48 : memref<32x1024xf32, #tpu.memory_space<hbm>>) target_semaphore(%run_scoped3A_43 : memref<!tpu.dma_semaphore, #tpu.memory_space<semaphore_mem>>)
        %dma_wait3A = arith.constant 0 : i32
        %dma_wait3A_49 = tpu.memref_slice %arg4[%run_scoped3A_26, %add3A_11, %dma_wait3A] : memref<4x8192x1024xf32, #tpu.memory_space<hbm>> -> memref<1x32x1024xf32, #tpu.memory_space<hbm>>
        %dma_wait3A_50 = tpu.memref_squeeze %dma_wait3A_49 : memref<1x32x1024xf32, #tpu.memory_space<hbm>> -> memref<32x1024xf32, #tpu.memory_space<hbm>>
        %dma_wait3A_51 = arith.constant 0 : i32
        %dma_wait3A_52 = tpu.memref_slice %arg4[%run_scoped3A_26, %add3A_11, %dma_wait3A_51] : memref<4x8192x1024xf32, #tpu.memory_space<hbm>> -> memref<1x32x1024xf32, #tpu.memory_space<hbm>>
        %dma_wait3A_53 = tpu.memref_squeeze %dma_wait3A_52 : memref<1x32x1024xf32, #tpu.memory_space<hbm>> -> memref<32x1024xf32, #tpu.memory_space<hbm>>
        tpu.wait_dma2 semaphore(%run_scoped3A_43 : memref<!tpu.dma_semaphore, #tpu.memory_space<semaphore_mem>>) src(%arg6 : memref<32x1024xf32, #tpu.memory_space<vmem>>) dst(%dma_wait3A_53 : memref<32x1024xf32, #tpu.memory_space<hbm>>)
        tpu.yield
      }) : () -> ()
      %run_scoped3A_27 = arith.constant 2 : i32
      "tpu.region"() ({
        %run_scoped3A_43 = tpu.sem_alloc : memref<!tpu.dma_semaphore, #tpu.memory_space<semaphore_mem>>
        %dma_start3A = arith.constant 0 : i32
        %dma_start3A_44 = tpu.memref_slice %arg2[%run_scoped3A_27, %add3A_11, %dma_start3A] : memref<4x8192x1024xf32, #tpu.memory_space<hbm>> -> memref<1x32x1024xf32, #tpu.memory_space<hbm>>
        %dma_start3A_45 = tpu.memref_squeeze %dma_start3A_44 : memref<1x32x1024xf32, #tpu.memory_space<hbm>> -> memref<32x1024xf32, #tpu.memory_space<hbm>>
        %dma_start3A_46 = arith.constant 0 : i32
        %dma_start3A_47 = tpu.memref_slice %arg2[%run_scoped3A_27, %add3A_11, %dma_start3A_46] : memref<4x8192x1024xf32, #tpu.memory_space<hbm>> -> memref<1x32x1024xf32, #tpu.memory_space<hbm>>
        %dma_start3A_48 = tpu.memref_squeeze %dma_start3A_47 : memref<1x32x1024xf32, #tpu.memory_space<hbm>> -> memref<32x1024xf32, #tpu.memory_space<hbm>>
        tpu.enqueue_dma source(%dma_start3A_48 : memref<32x1024xf32, #tpu.memory_space<hbm>>) target(%arg6 : memref<32x1024xf32, #tpu.memory_space<vmem>>) target_semaphore(%run_scoped3A_43 : memref<!tpu.dma_semaphore, #tpu.memory_space<semaphore_mem>>)
        %dma_wait3A = arith.constant 0 : i32
        %dma_wait3A_49 = tpu.memref_slice %arg2[%run_scoped3A_27, %add3A_11, %dma_wait3A] : memref<4x8192x1024xf32, #tpu.memory_space<hbm>> -> memref<1x32x1024xf32, #tpu.memory_space<hbm>>
        %dma_wait3A_50 = tpu.memref_squeeze %dma_wait3A_49 : memref<1x32x1024xf32, #tpu.memory_space<hbm>> -> memref<32x1024xf32, #tpu.memory_space<hbm>>
        %dma_wait3A_51 = arith.constant 0 : i32
        %dma_wait3A_52 = tpu.memref_slice %arg2[%run_scoped3A_27, %add3A_11, %dma_wait3A_51] : memref<4x8192x1024xf32, #tpu.memory_space<hbm>> -> memref<1x32x1024xf32, #tpu.memory_space<hbm>>
        %dma_wait3A_53 = tpu.memref_squeeze %dma_wait3A_52 : memref<1x32x1024xf32, #tpu.memory_space<hbm>> -> memref<32x1024xf32, #tpu.memory_space<hbm>>
        tpu.wait_dma2 semaphore(%run_scoped3A_43 : memref<!tpu.dma_semaphore, #tpu.memory_space<semaphore_mem>>) src(%dma_wait3A_53 : memref<32x1024xf32, #tpu.memory_space<hbm>>) dst(%arg6 : memref<32x1024xf32, #tpu.memory_space<vmem>>)
        tpu.yield
      }) : () -> ()
      %scan3A_28 = arith.constant 0 : i32
      %scan3A_29 = arith.constant 0 : i32
      %scan3A_30 = arith.constant 32 : i32
      %scan3A_31 = arith.addi %scan3A_29, %scan3A_30 : i32
      %scan3A_32 = arith.constant 1 : i32
      scf.for %scan3A_43 = %scan3A_29 to %scan3A_31 step %scan3A_32  : i32 {
        %scan3A_44 = arith.constant 0 : i32
        %scan3A_45 = arith.constant 64 : i32
        %scan3A_46 = arith.addi %scan3A_44, %scan3A_45 : i32
        %scan3A_47 = arith.constant 8 : i32
        scf.for %scan3A_49 = %scan3A_44 to %scan3A_46 step %scan3A_47  : i32 {
          %mul3A_50 = arith.constant 16 : i32
          %mul3A_51 = arith.muli %scan3A_49, %mul3A_50 : i32
          %get3A = arith.index_cast %scan3A_43 : i32 to index
          %get3A_52 = arith.index_cast %mul3A_51 : i32 to index
          %get3A_53 = tpu.vector_load %arg6[%get3A, %get3A_52] {strides = array<i32>} : memref<32x1024xf32, #tpu.memory_space<vmem>>, vector<1x16xf32>,
          %get3A_54 = vector.shape_cast %get3A_53 : vector<1x16xf32> to vector<16xf32>
          %get3A_55 = arith.index_cast %scan3A_43 : i32 to index
          %get3A_56 = arith.index_cast %mul3A_51 : i32 to index
          %get3A_57 = tpu.vector_load %arg5[%get3A_55, %get3A_56] {strides = array<i32>} : memref<32x1024xf32, #tpu.memory_space<vmem>>, vector<1x16xf32>,
          %get3A_58 = vector.shape_cast %get3A_57 : vector<1x16xf32> to vector<16xf32>
          %add3A_59 = arith.addf %get3A_54, %get3A_58 : vector<16xf32>
          %swap3A = arith.index_cast %scan3A_43 : i32 to index
          %swap3A_60 = arith.index_cast %mul3A_51 : i32 to index
          %swap3A_61 = tpu.vector_load %arg6[%swap3A, %swap3A_60] {strides = array<i32>} : memref<32x1024xf32, #tpu.memory_space<vmem>>, vector<1x16xf32>,
          %swap3A_62 = vector.shape_cast %swap3A_61 : vector<1x16xf32> to vector<16xf32>
          %swap3A_63 = vector.shape_cast %add3A_59 : vector<16xf32> to vector<1x16xf32>
          tpu.vector_store %arg6[%swap3A, %swap3A_60], %swap3A_63 {strides = array<i32>} : memref<32x1024xf32, #tpu.memory_space<vmem>>, vector<1x16xf32>,
          %scan3A_64 = arith.constant 1 : i32
          %scan3A_65 = arith.addi %scan3A_49, %scan3A_64 : i32
          %mul3A_66 = arith.constant 16 : i32
          %mul3A_67 = arith.muli %scan3A_65, %mul3A_66 : i32
          %get3A_68 = arith.index_cast %scan3A_43 : i32 to index
          %get3A_69 = arith.index_cast %mul3A_67 : i32 to index
          %get3A_70 = tpu.vector_load %arg6[%get3A_68, %get3A_69] {strides = array<i32>} : memref<32x1024xf32, #tpu.memory_space<vmem>>, vector<1x16xf32>,
          %get3A_71 = vector.shape_cast %get3A_70 : vector<1x16xf32> to vector<16xf32>
          %get3A_72 = arith.index_cast %scan3A_43 : i32 to index
          %get3A_73 = arith.index_cast %mul3A_67 : i32 to index
          %get3A_74 = tpu.vector_load %arg5[%get3A_72, %get3A_73] {strides = array<i32>} : memref<32x1024xf32, #tpu.memory_space<vmem>>, vector<1x16xf32>,
          %get3A_75 = vector.shape_cast %get3A_74 : vector<1x16xf32> to vector<16xf32>
          %add3A_76 = arith.addf %get3A_71, %get3A_75 : vector<16xf32>
          %swap3A_77 = arith.index_cast %scan3A_43 : i32 to index
          %swap3A_78 = arith.index_cast %mul3A_67 : i32 to index
          %swap3A_79 = tpu.vector_load %arg6[%swap3A_77, %swap3A_78] {strides = array<i32>} : memref<32x1024xf32, #tpu.memory_space<vmem>>, vector<1x16xf32>,
          %swap3A_80 = vector.shape_cast %swap3A_79 : vector<1x16xf32> to vector<16xf32>
          %swap3A_81 = vector.shape_cast %add3A_76 : vector<16xf32> to vector<1x16xf32>
          tpu.vector_store %arg6[%swap3A_77, %swap3A_78], %swap3A_81 {strides = array<i32>} : memref<32x1024xf32, #tpu.memory_space<vmem>>, vector<1x16xf32>,
          %scan3A_82 = arith.constant 2 : i32
          %scan3A_83 = arith.addi %scan3A_49, %scan3A_82 : i32
          %mul3A_84 = arith.constant 16 : i32
          %mul3A_85 = arith.muli %scan3A_83, %mul3A_84 : i32
          %get3A_86 = arith.index_cast %scan3A_43 : i32 to index
          %get3A_87 = arith.index_cast %mul3A_85 : i32 to index
          %get3A_88 = tpu.vector_load %arg6[%get3A_86, %get3A_87] {strides = array<i32>} : memref<32x1024xf32, #tpu.memory_space<vmem>>, vector<1x16xf32>,
          %get3A_89 = vector.shape_cast %get3A_88 : vector<1x16xf32> to vector<16xf32>
          %get3A_90 = arith.index_cast %scan3A_43 : i32 to index
          %get3A_91 = arith.index_cast %mul3A_85 : i32 to index
          %get3A_92 = tpu.vector_load %arg5[%get3A_90, %get3A_91] {strides = array<i32>} : memref<32x1024xf32, #tpu.memory_space<vmem>>, vector<1x16xf32>,
          %get3A_93 = vector.shape_cast %get3A_92 : vector<1x16xf32> to vector<16xf32>
          %add3A_94 = arith.addf %get3A_89, %get3A_93 : vector<16xf32>
          %swap3A_95 = arith.index_cast %scan3A_43 : i32 to index
          %swap3A_96 = arith.index_cast %mul3A_85 : i32 to index
          %swap3A_97 = tpu.vector_load %arg6[%swap3A_95, %swap3A_96] {strides = array<i32>} : memref<32x1024xf32, #tpu.memory_space<vmem>>, vector<1x16xf32>,
          %swap3A_98 = vector.shape_cast %swap3A_97 : vector<1x16xf32> to vector<16xf32>
          %swap3A_99 = vector.shape_cast %add3A_94 : vector<16xf32> to vector<1x16xf32>
          tpu.vector_store %arg6[%swap3A_95, %swap3A_96], %swap3A_99 {strides = array<i32>} : memref<32x1024xf32, #tpu.memory_space<vmem>>, vector<1x16xf32>,
          %scan3A_100 = arith.constant 3 : i32
          %scan3A_101 = arith.addi %scan3A_49, %scan3A_100 : i32
          %mul3A_102 = arith.constant 16 : i32
          %mul3A_103 = arith.muli %scan3A_101, %mul3A_102 : i32
          %get3A_104 = arith.index_cast %scan3A_43 : i32 to index
          %get3A_105 = arith.index_cast %mul3A_103 : i32 to index
          %get3A_106 = tpu.vector_load %arg6[%get3A_104, %get3A_105] {strides = array<i32>} : memref<32x1024xf32, #tpu.memory_space<vmem>>, vector<1x16xf32>,
          %get3A_107 = vector.shape_cast %get3A_106 : vector<1x16xf32> to vector<16xf32>
          %get3A_108 = arith.index_cast %scan3A_43 : i32 to index
          %get3A_109 = arith.index_cast %mul3A_103 : i32 to index
          %get3A_110 = tpu.vector_load %arg5[%get3A_108, %get3A_109] {strides = array<i32>} : memref<32x1024xf32, #tpu.memory_space<vmem>>, vector<1x16xf32>,
          %get3A_111 = vector.shape_cast %get3A_110 : vector<1x16xf32> to vector<16xf32>
          %add3A_112 = arith.addf %get3A_107, %get3A_111 : vector<16xf32>
          %swap3A_113 = arith.index_cast %scan3A_43 : i32 to index
          %swap3A_114 = arith.index_cast %mul3A_103 : i32 to index
          %swap3A_115 = tpu.vector_load %arg6[%swap3A_113, %swap3A_114] {strides = array<i32>} : memref<32x1024xf32, #tpu.memory_space<vmem>>, vector<1x16xf32>,
          %swap3A_116 = vector.shape_cast %swap3A_115 : vector<1x16xf32> to vector<16xf32>
          %swap3A_117 = vector.shape_cast %add3A_112 : vector<16xf32> to vector<1x16xf32>
          tpu.vector_store %arg6[%swap3A_113, %swap3A_114], %swap3A_117 {strides = array<i32>} : memref<32x1024xf32, #tpu.memory_space<vmem>>, vector<1x16xf32>,
          %scan3A_118 = arith.constant 4 : i32
          %scan3A_119 = arith.addi %scan3A_49, %scan3A_118 : i32
          %mul3A_120 = arith.constant 16 : i32
          %mul3A_121 = arith.muli %scan3A_119, %mul3A_120 : i32
          %get3A_122 = arith.index_cast %scan3A_43 : i32 to index
          %get3A_123 = arith.index_cast %mul3A_121 : i32 to index
          %get3A_124 = tpu.vector_load %arg6[%get3A_122, %get3A_123] {strides = array<i32>} : memref<32x1024xf32, #tpu.memory_space<vmem>>, vector<1x16xf32>,
          %get3A_125 = vector.shape_cast %get3A_124 : vector<1x16xf32> to vector<16xf32>
          %get3A_126 = arith.index_cast %scan3A_43 : i32 to index
          %get3A_127 = arith.index_cast %mul3A_121 : i32 to index
          %get3A_128 = tpu.vector_load %arg5[%get3A_126, %get3A_127] {strides = array<i32>} : memref<32x1024xf32, #tpu.memory_space<vmem>>, vector<1x16xf32>,
          %get3A_129 = vector.shape_cast %get3A_128 : vector<1x16xf32> to vector<16xf32>
          %add3A_130 = arith.addf %get3A_125, %get3A_129 : vector<16xf32>
          %swap3A_131 = arith.index_cast %scan3A_43 : i32 to index
          %swap3A_132 = arith.index_cast %mul3A_121 : i32 to index
          %swap3A_133 = tpu.vector_load %arg6[%swap3A_131, %swap3A_132] {strides = array<i32>} : memref<32x1024xf32, #tpu.memory_space<vmem>>, vector<1x16xf32>,
          %swap3A_134 = vector.shape_cast %swap3A_133 : vector<1x16xf32> to vector<16xf32>
          %swap3A_135 = vector.shape_cast %add3A_130 : vector<16xf32> to vector<1x16xf32>
          tpu.vector_store %arg6[%swap3A_131, %swap3A_132], %swap3A_135 {strides = array<i32>} : memref<32x1024xf32, #tpu.memory_space<vmem>>, vector<1x16xf32>,
          %scan3A_136 = arith.constant 5 : i32
          %scan3A_137 = arith.addi %scan3A_49, %scan3A_136 : i32
          %mul3A_138 = arith.constant 16 : i32
          %mul3A_139 = arith.muli %scan3A_137, %mul3A_138 : i32
          %get3A_140 = arith.index_cast %scan3A_43 : i32 to index
          %get3A_141 = arith.index_cast %mul3A_139 : i32 to index
          %get3A_142 = tpu.vector_load %arg6[%get3A_140, %get3A_141] {strides = array<i32>} : memref<32x1024xf32, #tpu.memory_space<vmem>>, vector<1x16xf32>,
          %get3A_143 = vector.shape_cast %get3A_142 : vector<1x16xf32> to vector<16xf32>
          %get3A_144 = arith.index_cast %scan3A_43 : i32 to index
          %get3A_145 = arith.index_cast %mul3A_139 : i32 to index
          %get3A_146 = tpu.vector_load %arg5[%get3A_144, %get3A_145] {strides = array<i32>} : memref<32x1024xf32, #tpu.memory_space<vmem>>, vector<1x16xf32>,
          %get3A_147 = vector.shape_cast %get3A_146 : vector<1x16xf32> to vector<16xf32>
          %add3A_148 = arith.addf %get3A_143, %get3A_147 : vector<16xf32>
          %swap3A_149 = arith.index_cast %scan3A_43 : i32 to index
          %swap3A_150 = arith.index_cast %mul3A_139 : i32 to index
          %swap3A_151 = tpu.vector_load %arg6[%swap3A_149, %swap3A_150] {strides = array<i32>} : memref<32x1024xf32, #tpu.memory_space<vmem>>, vector<1x16xf32>,
          %swap3A_152 = vector.shape_cast %swap3A_151 : vector<1x16xf32> to vector<16xf32>
          %swap3A_153 = vector.shape_cast %add3A_148 : vector<16xf32> to vector<1x16xf32>
          tpu.vector_store %arg6[%swap3A_149, %swap3A_150], %swap3A_153 {strides = array<i32>} : memref<32x1024xf32, #tpu.memory_space<vmem>>, vector<1x16xf32>,
          %scan3A_154 = arith.constant 6 : i32
          %scan3A_155 = arith.addi %scan3A_49, %scan3A_154 : i32
          %mul3A_156 = arith.constant 16 : i32
          %mul3A_157 = arith.muli %scan3A_155, %mul3A_156 : i32
          %get3A_158 = arith.index_cast %scan3A_43 : i32 to index
          %get3A_159 = arith.index_cast %mul3A_157 : i32 to index
          %get3A_160 = tpu.vector_load %arg6[%get3A_158, %get3A_159] {strides = array<i32>} : memref<32x1024xf32, #tpu.memory_space<vmem>>, vector<1x16xf32>,
          %get3A_161 = vector.shape_cast %get3A_160 : vector<1x16xf32> to vector<16xf32>
          %get3A_162 = arith.index_cast %scan3A_43 : i32 to index
          %get3A_163 = arith.index_cast %mul3A_157 : i32 to index
          %get3A_164 = tpu.vector_load %arg5[%get3A_162, %get3A_163] {strides = array<i32>} : memref<32x1024xf32, #tpu.memory_space<vmem>>, vector<1x16xf32>,
          %get3A_165 = vector.shape_cast %get3A_164 : vector<1x16xf32> to vector<16xf32>
          %add3A_166 = arith.addf %get3A_161, %get3A_165 : vector<16xf32>
          %swap3A_167 = arith.index_cast %scan3A_43 : i32 to index
          %swap3A_168 = arith.index_cast %mul3A_157 : i32 to index
          %swap3A_169 = tpu.vector_load %arg6[%swap3A_167, %swap3A_168] {strides = array<i32>} : memref<32x1024xf32, #tpu.memory_space<vmem>>, vector<1x16xf32>,
          %swap3A_170 = vector.shape_cast %swap3A_169 : vector<1x16xf32> to vector<16xf32>
          %swap3A_171 = vector.shape_cast %add3A_166 : vector<16xf32> to vector<1x16xf32>
          tpu.vector_store %arg6[%swap3A_167, %swap3A_168], %swap3A_171 {strides = array<i32>} : memref<32x1024xf32, #tpu.memory_space<vmem>>, vector<1x16xf32>,
          %scan3A_172 = arith.constant 7 : i32
          %scan3A_173 = arith.addi %scan3A_49, %scan3A_172 : i32
          %mul3A_174 = arith.constant 16 : i32
          %mul3A_175 = arith.muli %scan3A_173, %mul3A_174 : i32
          %get3A_176 = arith.index_cast %scan3A_43 : i32 to index
          %get3A_177 = arith.index_cast %mul3A_175 : i32 to index
          %get3A_178 = tpu.vector_load %arg6[%get3A_176, %get3A_177] {strides = array<i32>} : memref<32x1024xf32, #tpu.memory_space<vmem>>, vector<1x16xf32>,
          %get3A_179 = vector.shape_cast %get3A_178 : vector<1x16xf32> to vector<16xf32>
          %get3A_180 = arith.index_cast %scan3A_43 : i32 to index
          %get3A_181 = arith.index_cast %mul3A_175 : i32 to index
          %get3A_182 = tpu.vector_load %arg5[%get3A_180, %get3A_181] {strides = array<i32>} : memref<32x1024xf32, #tpu.memory_space<vmem>>, vector<1x16xf32>,
          %get3A_183 = vector.shape_cast %get3A_182 : vector<1x16xf32> to vector<16xf32>
          %add3A_184 = arith.addf %get3A_179, %get3A_183 : vector<16xf32>
          %swap3A_185 = arith.index_cast %scan3A_43 : i32 to index
          %swap3A_186 = arith.index_cast %mul3A_175 : i32 to index
          %swap3A_187 = tpu.vector_load %arg6[%swap3A_185, %swap3A_186] {strides = array<i32>} : memref<32x1024xf32, #tpu.memory_space<vmem>>, vector<1x16xf32>,
          %swap3A_188 = vector.shape_cast %swap3A_187 : vector<1x16xf32> to vector<16xf32>
          %swap3A_189 = vector.shape_cast %add3A_184 : vector<16xf32> to vector<1x16xf32>
          tpu.vector_store %arg6[%swap3A_185, %swap3A_186], %swap3A_189 {strides = array<i32>} : memref<32x1024xf32, #tpu.memory_space<vmem>>, vector<1x16xf32>,
        }
        %scan3A_48 = arith.constant 64 : i32
      }
      %scan3A_33 = arith.constant 32 : i32
      %run_scoped3A_34 = arith.constant 2 : i32
      "tpu.region"() ({
        %run_scoped3A_43 = tpu.sem_alloc : memref<!tpu.dma_semaphore, #tpu.memory_space<semaphore_mem>>
        %dma_start3A = arith.constant 0 : i32
        %dma_start3A_44 = tpu.memref_slice %arg4[%run_scoped3A_34, %add3A_11, %dma_start3A] : memref<4x8192x1024xf32, #tpu.memory_space<hbm>> -> memref<1x32x1024xf32, #tpu.memory_space<hbm>>
        %dma_start3A_45 = tpu.memref_squeeze %dma_start3A_44 : memref<1x32x1024xf32, #tpu.memory_space<hbm>> -> memref<32x1024xf32, #tpu.memory_space<hbm>>
        %dma_start3A_46 = arith.constant 0 : i32
        %dma_start3A_47 = tpu.memref_slice %arg4[%run_scoped3A_34, %add3A_11, %dma_start3A_46] : memref<4x8192x1024xf32, #tpu.memory_space<hbm>> -> memref<1x32x1024xf32, #tpu.memory_space<hbm>>
        %dma_start3A_48 = tpu.memref_squeeze %dma_start3A_47 : memref<1x32x1024xf32, #tpu.memory_space<hbm>> -> memref<32x1024xf32, #tpu.memory_space<hbm>>
        tpu.enqueue_dma source(%arg6 : memref<32x1024xf32, #tpu.memory_space<vmem>>) target(%dma_start3A_48 : memref<32x1024xf32, #tpu.memory_space<hbm>>) target_semaphore(%run_scoped3A_43 : memref<!tpu.dma_semaphore, #tpu.memory_space<semaphore_mem>>)
        %dma_wait3A = arith.constant 0 : i32
        %dma_wait3A_49 = tpu.memref_slice %arg4[%run_scoped3A_34, %add3A_11, %dma_wait3A] : memref<4x8192x1024xf32, #tpu.memory_space<hbm>> -> memref<1x32x1024xf32, #tpu.memory_space<hbm>>
        %dma_wait3A_50 = tpu.memref_squeeze %dma_wait3A_49 : memref<1x32x1024xf32, #tpu.memory_space<hbm>> -> memref<32x1024xf32, #tpu.memory_space<hbm>>
        %dma_wait3A_51 = arith.constant 0 : i32
        %dma_wait3A_52 = tpu.memref_slice %arg4[%run_scoped3A_34, %add3A_11, %dma_wait3A_51] : memref<4x8192x1024xf32, #tpu.memory_space<hbm>> -> memref<1x32x1024xf32, #tpu.memory_space<hbm>>
        %dma_wait3A_53 = tpu.memref_squeeze %dma_wait3A_52 : memref<1x32x1024xf32, #tpu.memory_space<hbm>> -> memref<32x1024xf32, #tpu.memory_space<hbm>>
        tpu.wait_dma2 semaphore(%run_scoped3A_43 : memref<!tpu.dma_semaphore, #tpu.memory_space<semaphore_mem>>) src(%arg6 : memref<32x1024xf32, #tpu.memory_space<vmem>>) dst(%dma_wait3A_53 : memref<32x1024xf32, #tpu.memory_space<hbm>>)
        tpu.yield
      }) : () -> ()
      %run_scoped3A_35 = arith.constant 3 : i32
      "tpu.region"() ({
        %run_scoped3A_43 = tpu.sem_alloc : memref<!tpu.dma_semaphore, #tpu.memory_space<semaphore_mem>>
        %dma_start3A = arith.constant 0 : i32
        %dma_start3A_44 = tpu.memref_slice %arg2[%run_scoped3A_35, %add3A_11, %dma_start3A] : memref<4x8192x1024xf32, #tpu.memory_space<hbm>> -> memref<1x32x1024xf32, #tpu.memory_space<hbm>>
        %dma_start3A_45 = tpu.memref_squeeze %dma_start3A_44 : memref<1x32x1024xf32, #tpu.memory_space<hbm>> -> memref<32x1024xf32, #tpu.memory_space<hbm>>
        %dma_start3A_46 = arith.constant 0 : i32
        %dma_start3A_47 = tpu.memref_slice %arg2[%run_scoped3A_35, %add3A_11, %dma_start3A_46] : memref<4x8192x1024xf32, #tpu.memory_space<hbm>> -> memref<1x32x1024xf32, #tpu.memory_space<hbm>>
        %dma_start3A_48 = tpu.memref_squeeze %dma_start3A_47 : memref<1x32x1024xf32, #tpu.memory_space<hbm>> -> memref<32x1024xf32, #tpu.memory_space<hbm>>
        tpu.enqueue_dma source(%dma_start3A_48 : memref<32x1024xf32, #tpu.memory_space<hbm>>) target(%arg6 : memref<32x1024xf32, #tpu.memory_space<vmem>>) target_semaphore(%run_scoped3A_43 : memref<!tpu.dma_semaphore, #tpu.memory_space<semaphore_mem>>)
        %dma_wait3A = arith.constant 0 : i32
        %dma_wait3A_49 = tpu.memref_slice %arg2[%run_scoped3A_35, %add3A_11, %dma_wait3A] : memref<4x8192x1024xf32, #tpu.memory_space<hbm>> -> memref<1x32x1024xf32, #tpu.memory_space<hbm>>
        %dma_wait3A_50 = tpu.memref_squeeze %dma_wait3A_49 : memref<1x32x1024xf32, #tpu.memory_space<hbm>> -> memref<32x1024xf32, #tpu.memory_space<hbm>>
        %dma_wait3A_51 = arith.constant 0 : i32
        %dma_wait3A_52 = tpu.memref_slice %arg2[%run_scoped3A_35, %add3A_11, %dma_wait3A_51] : memref<4x8192x1024xf32, #tpu.memory_space<hbm>> -> memref<1x32x1024xf32, #tpu.memory_space<hbm>>
        %dma_wait3A_53 = tpu.memref_squeeze %dma_wait3A_52 : memref<1x32x1024xf32, #tpu.memory_space<hbm>> -> memref<32x1024xf32, #tpu.memory_space<hbm>>
        tpu.wait_dma2 semaphore(%run_scoped3A_43 : memref<!tpu.dma_semaphore, #tpu.memory_space<semaphore_mem>>) src(%dma_wait3A_53 : memref<32x1024xf32, #tpu.memory_space<hbm>>) dst(%arg6 : memref<32x1024xf32, #tpu.memory_space<vmem>>)
        tpu.yield
      }) : () -> ()
      %scan3A_36 = arith.constant 0 : i32
      %scan3A_37 = arith.constant 0 : i32
      %scan3A_38 = arith.constant 32 : i32
      %scan3A_39 = arith.addi %scan3A_37, %scan3A_38 : i32
      %scan3A_40 = arith.constant 1 : i32
      scf.for %scan3A_43 = %scan3A_37 to %scan3A_39 step %scan3A_40  : i32 {
        %scan3A_44 = arith.constant 0 : i32
        %scan3A_45 = arith.constant 64 : i32
        %scan3A_46 = arith.addi %scan3A_44, %scan3A_45 : i32
        %scan3A_47 = arith.constant 8 : i32
        scf.for %scan3A_49 = %scan3A_44 to %scan3A_46 step %scan3A_47  : i32 {
          %mul3A_50 = arith.constant 16 : i32
          %mul3A_51 = arith.muli %scan3A_49, %mul3A_50 : i32
          %get3A = arith.index_cast %scan3A_43 : i32 to index
          %get3A_52 = arith.index_cast %mul3A_51 : i32 to index
          %get3A_53 = tpu.vector_load %arg6[%get3A, %get3A_52] {strides = array<i32>} : memref<32x1024xf32, #tpu.memory_space<vmem>>, vector<1x16xf32>,
          %get3A_54 = vector.shape_cast %get3A_53 : vector<1x16xf32> to vector<16xf32>
          %get3A_55 = arith.index_cast %scan3A_43 : i32 to index
          %get3A_56 = arith.index_cast %mul3A_51 : i32 to index
          %get3A_57 = tpu.vector_load %arg5[%get3A_55, %get3A_56] {strides = array<i32>} : memref<32x1024xf32, #tpu.memory_space<vmem>>, vector<1x16xf32>,
          %get3A_58 = vector.shape_cast %get3A_57 : vector<1x16xf32> to vector<16xf32>
          %add3A_59 = arith.addf %get3A_54, %get3A_58 : vector<16xf32>
          %swap3A = arith.index_cast %scan3A_43 : i32 to index
          %swap3A_60 = arith.index_cast %mul3A_51 : i32 to index
          %swap3A_61 = tpu.vector_load %arg6[%swap3A, %swap3A_60] {strides = array<i32>} : memref<32x1024xf32, #tpu.memory_space<vmem>>, vector<1x16xf32>,
          %swap3A_62 = vector.shape_cast %swap3A_61 : vector<1x16xf32> to vector<16xf32>
          %swap3A_63 = vector.shape_cast %add3A_59 : vector<16xf32> to vector<1x16xf32>
          tpu.vector_store %arg6[%swap3A, %swap3A_60], %swap3A_63 {strides = array<i32>} : memref<32x1024xf32, #tpu.memory_space<vmem>>, vector<1x16xf32>,
          %scan3A_64 = arith.constant 1 : i32
          %scan3A_65 = arith.addi %scan3A_49, %scan3A_64 : i32
          %mul3A_66 = arith.constant 16 : i32
          %mul3A_67 = arith.muli %scan3A_65, %mul3A_66 : i32
          %get3A_68 = arith.index_cast %scan3A_43 : i32 to index
          %get3A_69 = arith.index_cast %mul3A_67 : i32 to index
          %get3A_70 = tpu.vector_load %arg6[%get3A_68, %get3A_69] {strides = array<i32>} : memref<32x1024xf32, #tpu.memory_space<vmem>>, vector<1x16xf32>,
          %get3A_71 = vector.shape_cast %get3A_70 : vector<1x16xf32> to vector<16xf32>
          %get3A_72 = arith.index_cast %scan3A_43 : i32 to index
          %get3A_73 = arith.index_cast %mul3A_67 : i32 to index
          %get3A_74 = tpu.vector_load %arg5[%get3A_72, %get3A_73] {strides = array<i32>} : memref<32x1024xf32, #tpu.memory_space<vmem>>, vector<1x16xf32>,
          %get3A_75 = vector.shape_cast %get3A_74 : vector<1x16xf32> to vector<16xf32>
          %add3A_76 = arith.addf %get3A_71, %get3A_75 : vector<16xf32>
          %swap3A_77 = arith.index_cast %scan3A_43 : i32 to index
          %swap3A_78 = arith.index_cast %mul3A_67 : i32 to index
          %swap3A_79 = tpu.vector_load %arg6[%swap3A_77, %swap3A_78] {strides = array<i32>} : memref<32x1024xf32, #tpu.memory_space<vmem>>, vector<1x16xf32>,
          %swap3A_80 = vector.shape_cast %swap3A_79 : vector<1x16xf32> to vector<16xf32>
          %swap3A_81 = vector.shape_cast %add3A_76 : vector<16xf32> to vector<1x16xf32>
          tpu.vector_store %arg6[%swap3A_77, %swap3A_78], %swap3A_81 {strides = array<i32>} : memref<32x1024xf32, #tpu.memory_space<vmem>>, vector<1x16xf32>,
          %scan3A_82 = arith.constant 2 : i32
          %scan3A_83 = arith.addi %scan3A_49, %scan3A_82 : i32
          %mul3A_84 = arith.constant 16 : i32
          %mul3A_85 = arith.muli %scan3A_83, %mul3A_84 : i32
          %get3A_86 = arith.index_cast %scan3A_43 : i32 to index
          %get3A_87 = arith.index_cast %mul3A_85 : i32 to index
          %get3A_88 = tpu.vector_load %arg6[%get3A_86, %get3A_87] {strides = array<i32>} : memref<32x1024xf32, #tpu.memory_space<vmem>>, vector<1x16xf32>,
          %get3A_89 = vector.shape_cast %get3A_88 : vector<1x16xf32> to vector<16xf32>
          %get3A_90 = arith.index_cast %scan3A_43 : i32 to index
          %get3A_91 = arith.index_cast %mul3A_85 : i32 to index
          %get3A_92 = tpu.vector_load %arg5[%get3A_90, %get3A_91] {strides = array<i32>} : memref<32x1024xf32, #tpu.memory_space<vmem>>, vector<1x16xf32>,
          %get3A_93 = vector.shape_cast %get3A_92 : vector<1x16xf32> to vector<16xf32>
          %add3A_94 = arith.addf %get3A_89, %get3A_93 : vector<16xf32>
          %swap3A_95 = arith.index_cast %scan3A_43 : i32 to index
          %swap3A_96 = arith.index_cast %mul3A_85 : i32 to index
          %swap3A_97 = tpu.vector_load %arg6[%swap3A_95, %swap3A_96] {strides = array<i32>} : memref<32x1024xf32, #tpu.memory_space<vmem>>, vector<1x16xf32>,
          %swap3A_98 = vector.shape_cast %swap3A_97 : vector<1x16xf32> to vector<16xf32>
          %swap3A_99 = vector.shape_cast %add3A_94 : vector<16xf32> to vector<1x16xf32>
          tpu.vector_store %arg6[%swap3A_95, %swap3A_96], %swap3A_99 {strides = array<i32>} : memref<32x1024xf32, #tpu.memory_space<vmem>>, vector<1x16xf32>,
          %scan3A_100 = arith.constant 3 : i32
          %scan3A_101 = arith.addi %scan3A_49, %scan3A_100 : i32
          %mul3A_102 = arith.constant 16 : i32
          %mul3A_103 = arith.muli %scan3A_101, %mul3A_102 : i32
          %get3A_104 = arith.index_cast %scan3A_43 : i32 to index
          %get3A_105 = arith.index_cast %mul3A_103 : i32 to index
          %get3A_106 = tpu.vector_load %arg6[%get3A_104, %get3A_105] {strides = array<i32>} : memref<32x1024xf32, #tpu.memory_space<vmem>>, vector<1x16xf32>,
          %get3A_107 = vector.shape_cast %get3A_106 : vector<1x16xf32> to vector<16xf32>
          %get3A_108 = arith.index_cast %scan3A_43 : i32 to index
          %get3A_109 = arith.index_cast %mul3A_103 : i32 to index
          %get3A_110 = tpu.vector_load %arg5[%get3A_108, %get3A_109] {strides = array<i32>} : memref<32x1024xf32, #tpu.memory_space<vmem>>, vector<1x16xf32>,
          %get3A_111 = vector.shape_cast %get3A_110 : vector<1x16xf32> to vector<16xf32>
          %add3A_112 = arith.addf %get3A_107, %get3A_111 : vector<16xf32>
          %swap3A_113 = arith.index_cast %scan3A_43 : i32 to index
          %swap3A_114 = arith.index_cast %mul3A_103 : i32 to index
          %swap3A_115 = tpu.vector_load %arg6[%swap3A_113, %swap3A_114] {strides = array<i32>} : memref<32x1024xf32, #tpu.memory_space<vmem>>, vector<1x16xf32>,
          %swap3A_116 = vector.shape_cast %swap3A_115 : vector<1x16xf32> to vector<16xf32>
          %swap3A_117 = vector.shape_cast %add3A_112 : vector<16xf32> to vector<1x16xf32>
          tpu.vector_store %arg6[%swap3A_113, %swap3A_114], %swap3A_117 {strides = array<i32>} : memref<32x1024xf32, #tpu.memory_space<vmem>>, vector<1x16xf32>,
          %scan3A_118 = arith.constant 4 : i32
          %scan3A_119 = arith.addi %scan3A_49, %scan3A_118 : i32
          %mul3A_120 = arith.constant 16 : i32
          %mul3A_121 = arith.muli %scan3A_119, %mul3A_120 : i32
          %get3A_122 = arith.index_cast %scan3A_43 : i32 to index
          %get3A_123 = arith.index_cast %mul3A_121 : i32 to index
          %get3A_124 = tpu.vector_load %arg6[%get3A_122, %get3A_123] {strides = array<i32>} : memref<32x1024xf32, #tpu.memory_space<vmem>>, vector<1x16xf32>,
          %get3A_125 = vector.shape_cast %get3A_124 : vector<1x16xf32> to vector<16xf32>
          %get3A_126 = arith.index_cast %scan3A_43 : i32 to index
          %get3A_127 = arith.index_cast %mul3A_121 : i32 to index
          %get3A_128 = tpu.vector_load %arg5[%get3A_126, %get3A_127] {strides = array<i32>} : memref<32x1024xf32, #tpu.memory_space<vmem>>, vector<1x16xf32>,
          %get3A_129 = vector.shape_cast %get3A_128 : vector<1x16xf32> to vector<16xf32>
          %add3A_130 = arith.addf %get3A_125, %get3A_129 : vector<16xf32>
          %swap3A_131 = arith.index_cast %scan3A_43 : i32 to index
          %swap3A_132 = arith.index_cast %mul3A_121 : i32 to index
          %swap3A_133 = tpu.vector_load %arg6[%swap3A_131, %swap3A_132] {strides = array<i32>} : memref<32x1024xf32, #tpu.memory_space<vmem>>, vector<1x16xf32>,
          %swap3A_134 = vector.shape_cast %swap3A_133 : vector<1x16xf32> to vector<16xf32>
          %swap3A_135 = vector.shape_cast %add3A_130 : vector<16xf32> to vector<1x16xf32>
          tpu.vector_store %arg6[%swap3A_131, %swap3A_132], %swap3A_135 {strides = array<i32>} : memref<32x1024xf32, #tpu.memory_space<vmem>>, vector<1x16xf32>,
          %scan3A_136 = arith.constant 5 : i32
          %scan3A_137 = arith.addi %scan3A_49, %scan3A_136 : i32
          %mul3A_138 = arith.constant 16 : i32
          %mul3A_139 = arith.muli %scan3A_137, %mul3A_138 : i32
          %get3A_140 = arith.index_cast %scan3A_43 : i32 to index
          %get3A_141 = arith.index_cast %mul3A_139 : i32 to index
          %get3A_142 = tpu.vector_load %arg6[%get3A_140, %get3A_141] {strides = array<i32>} : memref<32x1024xf32, #tpu.memory_space<vmem>>, vector<1x16xf32>,
          %get3A_143 = vector.shape_cast %get3A_142 : vector<1x16xf32> to vector<16xf32>
          %get3A_144 = arith.index_cast %scan3A_43 : i32 to index
          %get3A_145 = arith.index_cast %mul3A_139 : i32 to index
          %get3A_146 = tpu.vector_load %arg5[%get3A_144, %get3A_145] {strides = array<i32>} : memref<32x1024xf32, #tpu.memory_space<vmem>>, vector<1x16xf32>,
          %get3A_147 = vector.shape_cast %get3A_146 : vector<1x16xf32> to vector<16xf32>
          %add3A_148 = arith.addf %get3A_143, %get3A_147 : vector<16xf32>
          %swap3A_149 = arith.index_cast %scan3A_43 : i32 to index
          %swap3A_150 = arith.index_cast %mul3A_139 : i32 to index
          %swap3A_151 = tpu.vector_load %arg6[%swap3A_149, %swap3A_150] {strides = array<i32>} : memref<32x1024xf32, #tpu.memory_space<vmem>>, vector<1x16xf32>,
          %swap3A_152 = vector.shape_cast %swap3A_151 : vector<1x16xf32> to vector<16xf32>
          %swap3A_153 = vector.shape_cast %add3A_148 : vector<16xf32> to vector<1x16xf32>
          tpu.vector_store %arg6[%swap3A_149, %swap3A_150], %swap3A_153 {strides = array<i32>} : memref<32x1024xf32, #tpu.memory_space<vmem>>, vector<1x16xf32>,
          %scan3A_154 = arith.constant 6 : i32
          %scan3A_155 = arith.addi %scan3A_49, %scan3A_154 : i32
          %mul3A_156 = arith.constant 16 : i32
          %mul3A_157 = arith.muli %scan3A_155, %mul3A_156 : i32
          %get3A_158 = arith.index_cast %scan3A_43 : i32 to index
          %get3A_159 = arith.index_cast %mul3A_157 : i32 to index
          %get3A_160 = tpu.vector_load %arg6[%get3A_158, %get3A_159] {strides = array<i32>} : memref<32x1024xf32, #tpu.memory_space<vmem>>, vector<1x16xf32>,
          %get3A_161 = vector.shape_cast %get3A_160 : vector<1x16xf32> to vector<16xf32>
          %get3A_162 = arith.index_cast %scan3A_43 : i32 to index
          %get3A_163 = arith.index_cast %mul3A_157 : i32 to index
          %get3A_164 = tpu.vector_load %arg5[%get3A_162, %get3A_163] {strides = array<i32>} : memref<32x1024xf32, #tpu.memory_space<vmem>>, vector<1x16xf32>,
          %get3A_165 = vector.shape_cast %get3A_164 : vector<1x16xf32> to vector<16xf32>
          %add3A_166 = arith.addf %get3A_161, %get3A_165 : vector<16xf32>
          %swap3A_167 = arith.index_cast %scan3A_43 : i32 to index
          %swap3A_168 = arith.index_cast %mul3A_157 : i32 to index
          %swap3A_169 = tpu.vector_load %arg6[%swap3A_167, %swap3A_168] {strides = array<i32>} : memref<32x1024xf32, #tpu.memory_space<vmem>>, vector<1x16xf32>,
          %swap3A_170 = vector.shape_cast %swap3A_169 : vector<1x16xf32> to vector<16xf32>
          %swap3A_171 = vector.shape_cast %add3A_166 : vector<16xf32> to vector<1x16xf32>
          tpu.vector_store %arg6[%swap3A_167, %swap3A_168], %swap3A_171 {strides = array<i32>} : memref<32x1024xf32, #tpu.memory_space<vmem>>, vector<1x16xf32>,
          %scan3A_172 = arith.constant 7 : i32
          %scan3A_173 = arith.addi %scan3A_49, %scan3A_172 : i32
          %mul3A_174 = arith.constant 16 : i32
          %mul3A_175 = arith.muli %scan3A_173, %mul3A_174 : i32
          %get3A_176 = arith.index_cast %scan3A_43 : i32 to index
          %get3A_177 = arith.index_cast %mul3A_175 : i32 to index
          %get3A_178 = tpu.vector_load %arg6[%get3A_176, %get3A_177] {strides = array<i32>} : memref<32x1024xf32, #tpu.memory_space<vmem>>, vector<1x16xf32>,
          %get3A_179 = vector.shape_cast %get3A_178 : vector<1x16xf32> to vector<16xf32>
          %get3A_180 = arith.index_cast %scan3A_43 : i32 to index
          %get3A_181 = arith.index_cast %mul3A_175 : i32 to index
          %get3A_182 = tpu.vector_load %arg5[%get3A_180, %get3A_181] {strides = array<i32>} : memref<32x1024xf32, #tpu.memory_space<vmem>>, vector<1x16xf32>,
          %get3A_183 = vector.shape_cast %get3A_182 : vector<1x16xf32> to vector<16xf32>
          %add3A_184 = arith.addf %get3A_179, %get3A_183 : vector<16xf32>
          %swap3A_185 = arith.index_cast %scan3A_43 : i32 to index
          %swap3A_186 = arith.index_cast %mul3A_175 : i32 to index
          %swap3A_187 = tpu.vector_load %arg6[%swap3A_185, %swap3A_186] {strides = array<i32>} : memref<32x1024xf32, #tpu.memory_space<vmem>>, vector<1x16xf32>,
          %swap3A_188 = vector.shape_cast %swap3A_187 : vector<1x16xf32> to vector<16xf32>
          %swap3A_189 = vector.shape_cast %add3A_184 : vector<16xf32> to vector<1x16xf32>
          tpu.vector_store %arg6[%swap3A_185, %swap3A_186], %swap3A_189 {strides = array<i32>} : memref<32x1024xf32, #tpu.memory_space<vmem>>, vector<1x16xf32>,
        }
        %scan3A_48 = arith.constant 64 : i32
      }
      %scan3A_41 = arith.constant 32 : i32
      %run_scoped3A_42 = arith.constant 3 : i32
      "tpu.region"() ({
        %run_scoped3A_43 = tpu.sem_alloc : memref<!tpu.dma_semaphore, #tpu.memory_space<semaphore_mem>>
        %dma_start3A = arith.constant 0 : i32
        %dma_start3A_44 = tpu.memref_slice %arg4[%run_scoped3A_42, %add3A_11, %dma_start3A] : memref<4x8192x1024xf32, #tpu.memory_space<hbm>> -> memref<1x32x1024xf32, #tpu.memory_space<hbm>>
        %dma_start3A_45 = tpu.memref_squeeze %dma_start3A_44 : memref<1x32x1024xf32, #tpu.memory_space<hbm>> -> memref<32x1024xf32, #tpu.memory_space<hbm>>
        %dma_start3A_46 = arith.constant 0 : i32
        %dma_start3A_47 = tpu.memref_slice %arg4[%run_scoped3A_42, %add3A_11, %dma_start3A_46] : memref<4x8192x1024xf32, #tpu.memory_space<hbm>> -> memref<1x32x1024xf32, #tpu.memory_space<hbm>>
        %dma_start3A_48 = tpu.memref_squeeze %dma_start3A_47 : memref<1x32x1024xf32, #tpu.memory_space<hbm>> -> memref<32x1024xf32, #tpu.memory_space<hbm>>
        tpu.enqueue_dma source(%arg6 : memref<32x1024xf32, #tpu.memory_space<vmem>>) target(%dma_start3A_48 : memref<32x1024xf32, #tpu.memory_space<hbm>>) target_semaphore(%run_scoped3A_43 : memref<!tpu.dma_semaphore, #tpu.memory_space<semaphore_mem>>)
        %dma_wait3A = arith.constant 0 : i32
        %dma_wait3A_49 = tpu.memref_slice %arg4[%run_scoped3A_42, %add3A_11, %dma_wait3A] : memref<4x8192x1024xf32, #tpu.memory_space<hbm>> -> memref<1x32x1024xf32, #tpu.memory_space<hbm>>
        %dma_wait3A_50 = tpu.memref_squeeze %dma_wait3A_49 : memref<1x32x1024xf32, #tpu.memory_space<hbm>> -> memref<32x1024xf32, #tpu.memory_space<hbm>>
        %dma_wait3A_51 = arith.constant 0 : i32
        %dma_wait3A_52 = tpu.memref_slice %arg4[%run_scoped3A_42, %add3A_11, %dma_wait3A_51] : memref<4x8192x1024xf32, #tpu.memory_space<hbm>> -> memref<1x32x1024xf32, #tpu.memory_space<hbm>>
        %dma_wait3A_53 = tpu.memref_squeeze %dma_wait3A_52 : memref<1x32x1024xf32, #tpu.memory_space<hbm>> -> memref<32x1024xf32, #tpu.memory_space<hbm>>
        tpu.wait_dma2 semaphore(%run_scoped3A_43 : memref<!tpu.dma_semaphore, #tpu.memory_space<semaphore_mem>>) src(%arg6 : memref<32x1024xf32, #tpu.memory_space<vmem>>) dst(%dma_wait3A_53 : memref<32x1024xf32, #tpu.memory_space<hbm>>)
        tpu.yield
      }) : () -> ()
    }
    %scan3A_7 = arith.constant 8 : i32
    return
  }
}

</mosaic_0001>

<sc_bundles>
// kernel: kernel.3.cloned.1.call-start
scs
__scs_entry_jumppad:
0x0: {  	(pc) =	sbr.rel $0x88, $3  }
0x1: {  	(tag) =	ssettag $0x0;
	lr =	simm.s32 $0x1  }
0x2: {  	[smem:$0x3F9F] =	sst lr;
	_ =	strace $0xD0000000  }
0x3: {  	_ = 	snop  }
0x4: {  	_ = 	snop  }
0x5: {  	_ = 	snop  }
0x6: {  	_ = 	snop  }
0x7: {  	_ = 	snop  }
__scs_overlays_trampoline_lowered:
0x8: {  	[smem:$0x3FAE] =	sst s0  }
0x9: {  	[smem:$0x3FAF] =	sst s1  }
0xa: {  	[smem:$0x3FB0] =	sst s2  }
0xb: {  	[smem:$0x3FB1] =	sst s3  }
0xc: {  	[smem:$0x3FB2] =	sst s4  }
0xd: {  	[smem:$0x3FB3] =	sst s5  }
0xe: {  	[smem:$0x3FB4] =	sst s6  }
0xf: {  	[smem:$0x3FB5] =	sst s7  }
0x10: {  	[smem:$0x3FB6] =	sst s8  }
0x11: {  	[smem:$0x3FB7] =	sst s9;
	s0 =	simm.s32 @!p0 $0x0  }
0x12: {  	s1 =	sld [smem:$0x3F9D];
	s0 =	simm.s32 @p0 $0x1  }
0x13: {  	[smem:$0x3FB8] =	sst s0;
	s0 =	simm.s32 @!p1 $0x0  }
0x14: {  	s2 =	sld [smem:$0x3F9C];
	s0 =	simm.s32 @p1 $0x1  }
0x15: {  	[smem:$0x3FB9] =	sst s0;
	s0 =	simm.s32 @!p2 $0x0  }
0x16: {  	s3 =	sld [smem:$0x3FDB];
	s0 =	simm.s32 @p2 $0x1  }
0x17: {  	s4 =	simm.s32 $0x1BF5;
	[smem:$0x3FBB] =	sst s0  }
0x18: {  	s0 =	sld [smem:$0x3F9E];
	_ =	swait.ge [sflag:s4], $0x0  }
0x19: {  	s7 =	sld [smem:$0x3F9F]  }
0x1a: {  	s8 =	sadd.s32 $0xFFFFE003, lr  }
0x1b: {  	s9 =	sadd.s32 $0xFFFFFEF7, lr;
	s5 =	simm.s32 $0xFFFFFFFF;
	p2 =	slt.u32 s8, $0xFFFFF086  }
0x1c: {  	p1 =	slt.u32 s9, $0xF7A;
	s5 =	simm.s32 @!p2 $0x0  }
0x1d: {  	s5 =	simm.s32 @p1 $0x1;
	p0 =	seq.s32 s7, s2  }
0x1e: {  	s7 =	smul.u32 @!p0 $0xF7A, s2;
	p2 =	seq.s32 @!p0 s5, $0x0  }
0x1f: {  	s9 =	smul.u32 $0xF7A, s1;
	s8 =	simm.s32 @!p0 $0x1BF5;
	p2 =	por !p2, p0  }
0x20: {  	[sflag:s8] =	ssyncset.s32 @!p0 $0xFFFFF086;
	s6 =	sadd.s32 @!p0 s3, s7;
	s7 =	simm.s32 @!p0 $0x108  }
0x21: {  	s3 =	sadd.s32 s3, s9;
	s6 =	sadd.s32 @!p0 $0x88, s6;
	s7 =	simm.s32 @p2 $0x1082  }
0x22: {  	[simem:s7], [sflag:s8] =	dma.local @!p0 [hbm:s6], $0xF7A  }
0x23: {  	s9 =	sor.u32 $0xD0000000, s2;
	s6 =	simm.s32 $0x108;
	_ =	swait.ge @!p0 [sflag:s8], $0x0  }
0x24: {  	s3 =	sadd.s32 $0x88, s3;
	s6 =	simm.s32 @!p1 $0x1082;
	[sflag:s4] =	ssyncset.s32 $0xFFFFF086  }
0x25: {  	[simem:s6], [sflag:s4] =	dma.local [hbm:s3], $0xF7A  }
0x26: {  	[smem:$0x3F9F] =	sst s1;
	(tag) =	ssettag s2;
	_ =	strace s9  }
0x27: {  	s1 =	sld [smem:$0x3FAF]  }
0x28: {  	s2 =	sld [smem:$0x3FB0]  }
0x29: {  	s4 =	sld [smem:$0x3FB2]  }
0x2a: {  	p0 =	seq.s32 s5, $0x0;
	s5 =	sld [smem:$0x3FB3]  }
0x2b: {  	s6 =	sld [smem:$0x3FB4]  }
0x2c: {  	s7 =	sld [smem:$0x3FB5]  }
0x2d: {  	s3 =	simm.s32 $0x108;
	s8 =	sld [smem:$0x3FB6]  }
0x2e: {  	s3 =	simm.s32 @!p0 $0x1082;
	s9 =	sld [smem:$0x3FB7]  }
0x2f: {  	lr =	sadd.s32 s0, s3;
	s0 =	sld [smem:$0x3FAE]  }
0x30: {  	s3 =	sld [smem:$0x3FB1]  }
0x31: {  	[smem:$0x3FBA] =	sst s10  }
0x32: {  	s10 =	sld [smem:$0x3FB8];
	_ =	sdelay $0x3  }
0x33: {  	p0 =	seq.s32 s10, $0x1;
	s10 =	sld [smem:$0x3FBA];
	_ =	sdelay $0x3  }
0x34: {  	[smem:$0x3FBA] =	sst s10  }
0x35: {  	s10 =	sld [smem:$0x3FB9];
	_ =	sdelay $0x3  }
0x36: {  	p1 =	seq.s32 s10, $0x1;
	s10 =	sld [smem:$0x3FBA];
	_ =	sdelay $0x3  }
0x37: {  	[smem:$0x3FBA] =	sst s10  }
0x38: {  	s10 =	sld [smem:$0x3FBB]  }
0x39: {  	_ = 	snop;
	(pc) =	sbr.ind lr, $3  }
0x3a: {  	_ = 	snop  }
0x3b: {  	_ = 	snop  }
0x3c: {  	p2 =	seq.s32 s10, $0x1;
	s10 =	sld [smem:$0x3FBA]  }
0x3d: {  	_ =	shalt  }
0x3e: {  	_ =	shalt  }
0x3f: {  	_ =	shalt  }
0x40: {  	_ =	shalt  }
0x41: {  	_ =	shalt  }
0x42: {  	_ =	shalt  }
0x43: {  	_ =	shalt  }
0x44: {  	_ =	shalt  }
0x45: {  	_ =	shalt  }
0x46: {  	_ =	shalt  }
0x47: {  	_ =	shalt  }
0x48: {  	_ =	shalt  }
0x49: {  	_ =	shalt  }
0x4a: {  	_ =	shalt  }
0x4b: {  	_ =	shalt  }
0x4c: {  	_ =	shalt  }
0x4d: {  	_ =	shalt  }
0x4e: {  	_ =	shalt  }
0x4f: {  	_ =	shalt  }
0x50: {  	_ =	shalt  }
0x51: {  	_ =	shalt  }
0x52: {  	_ =	shalt  }
0x53: {  	_ =	shalt  }
0x54: {  	_ =	shalt  }
0x55: {  	_ =	shalt  }
0x56: {  	_ =	shalt  }
0x57: {  	_ =	shalt  }
0x58: {  	_ =	shalt  }
0x59: {  	_ =	shalt  }
0x5a: {  	_ =	shalt  }
0x5b: {  	_ =	shalt  }
0x5c: {  	_ =	shalt  }
0x5d: {  	_ =	shalt  }
0x5e: {  	_ =	shalt  }
0x5f: {  	_ =	shalt  }
0x60: {  	_ =	shalt  }
0x61: {  	_ =	shalt  }
0x62: {  	_ =	shalt  }
0x63: {  	_ =	shalt  }
0x64: {  	_ =	shalt  }
0x65: {  	_ =	shalt  }
0x66: {  	_ =	shalt  }
0x67: {  	_ =	shalt  }
0x68: {  	_ =	shalt  }
0x69: {  	_ =	shalt  }
0x6a: {  	_ =	shalt  }
0x6b: {  	_ =	shalt  }
0x6c: {  	_ =	shalt  }
0x6d: {  	_ =	shalt  }
0x6e: {  	_ =	shalt  }
0x6f: {  	_ =	shalt  }
0x70: {  	_ =	shalt  }
0x71: {  	_ =	shalt  }
0x72: {  	_ =	shalt  }
0x73: {  	_ =	shalt  }
0x74: {  	_ =	shalt  }
0x75: {  	_ =	shalt  }
0x76: {  	_ =	shalt  }
0x77: {  	_ =	shalt  }
0x78: {  	_ =	shalt  }
0x79: {  	_ =	shalt  }
0x7a: {  	_ =	shalt  }
0x7b: {  	_ =	shalt  }
0x7c: {  	_ =	shalt  }
0x7d: {  	_ =	shalt  }
0x7e: {  	_ =	shalt  }
0x7f: {  	_ =	shalt  }
0x80: {  	_ =	shalt  }
0x81: {  	_ =	shalt  }
0x82: {  	_ =	shalt  }
0x83: {  	_ =	shalt  }
0x84: {  	_ =	shalt  }
0x85: {  	_ =	shalt  }
0x86: {  	_ =	shalt  }
0x87: {  	_ =	shalt  }
.Lfunc_end0:
.L_simem_size_0:
called_computation_lowered:
.L_overlay_start_0:
0x88: {  	s2 =	sld [smem:$0x3FD9]  }
0x89: {  	s3 =	sld [smem:$0x3FFE];
	_ =	sdelay $0x1  }
0x8a: {  	s1 =	srdreg.scid  }
0x8b: {  	s0 =	sand.u32 $0x1, s1  }
0x8c: {  	s18 =	sshll.u32 s0, $0xA;
	s2 =	sadd.s32 s3, s2  }
0x8d: {  	s2 =	sadd.s32 s2, s18  }
0x8e: {  	[smem:$0x3FC6] =	sst s2  }
0x8f: {  	_ = 	snop  }
0x90: {  	s2 =	sld [smem:$0x3FC9]  }
0x91: {  	s19 =	sld [smem:$0x3FC8]  }
0x92: {  	s4 =	sld [smem:$0x3FD0];
	(tm) =	ssettm $0x1  }
0x93: {  	s5 =	sld [smem:$0x3FFB];
	_ =	sdelay $0x3  }
0x94: {  	_ =	strace s5  }
0x95: {  	s5 =	sld [smem:$0x3FFC];
	_ =	sdelay $0x3  }
0x96: {  	_ =	strace s5  }
0x97: {  	s5 =	sld [smem:$0x3FFD];
	_ =	sdelay $0x3  }
0x98: {  	_ =	strace s5  }
0x99: {  	_ =	strace $0x8FFFFFFF  }
0x9a: {  	s20 =	sld [smem:$0x3FDB];
	_ =	sdelay $0x1  }
0x9b: {  	s6 =	simm.s32 $_scs_section_size  }
0x9c: {  	s7 =	simm.s32 $_size__tile_overlayer_lowered;
	s8 =	simm.s32 $_tile_overlayer_lowered  }
0x9d: {  	s23 =	simm.s32 $0x1BFF;
	s22 =	sshll.u32 s8, $0x1;
	s5 =	sadd.s32 s6, s20  }
0x9e: {  	s9 =	simm.s32 $0x0;
	s21 =	sshll.u32 s7, $0x1;
	s7 =	sadd.s32 s22, s5  }
0x9f: {  	[timem:s9], [sflag:s23] =	dma.local [hbm:s7], s21  }
0xa0: {  	_ =	swait.ge [sflag:s23], s21  }
0xa1: {  	s6 =	ssub.s32 $0x0, s21;
	[sflag:s23] =	ssyncset.done $0x0  }
0xa2: {  	[sflag:s23] =	ssyncadd.s32 s6;
	_ =	sdelay $0x1  }
0xa3: {  	s24 =	simm.s32 $0x1B8B  }
0xa4: {  	_ =	swait.ge [sflag:s24], $0x1  }
0xa5: {  	[sflag:s24] =	ssyncset.done $0x0  }
0xa6: {  	s25 =	simm.s32 $0x1B8E;
	[sflag:s24] =	ssyncadd.s32 $0xFFFFFFFF  }
0xa7: {  	s26 =	simm.s32 $execute0_lowered;
	[smem:$0x3FD2] =	sst s25  }
0xa8: {  	s6 =	sshll.u32 s26, $0x1;
	_ =	strace $0x80000046;
	[dreg:$0x1] =	wrdreg $0xFFFFFFFF  }
0xa9: {  	s28 =	simm.s32 $_size_execute0_lowered;
	s5 =	sadd.s32 s5, s6;
	[dreg:$0x0] =	wrdreg $0x0  }
0xaa: {  	s6 =	sshll.u32 s28, $0x1;
	[dreg:$0x2] =	wrdreg s5  }
0xab: {  	[dreg:$0x3] =	wrdreg s6  }
0xac: {  	[dreg:$0x4] =	wrdreg $0xC0  }
0xad: {  	_ =	task [dreg:s9], $0x5FFFF  }
0xae: {  	[dreg:$0x1] =	wrdreg $0xFFFFFFFF  }
0xaf: {  	[dreg:$0x0] =	wrdreg $0x60  }
0xb0: {  	[dreg:$0x2] =	wrdreg s2  }
0xb1: {  	[dreg:$0x3] =	wrdreg s19  }
0xb2: {  	[dreg:$0x4] =	wrdreg s4  }
0xb3: {  	[dreg:$0x5] =	wrdreg $0x9  }
0xb4: {  	_ =	task.clear_ibuf [dreg:s9], $0x6FFFF;
	_ =	strace $0x90000046  }
0xb5: {  	s29 =	simm.s32 $0x9;
	_ =	strace $0x80000048  }
0xb6: {  	_ =	swait.ge [sflag:s29], $0x1  }
0xb7: {  	[sflag:s29] =	ssyncadd.s32 $0xFFFFFFFF  }
0xb8: {  	_ =	strace $0x90000048  }
0xb9: {  	_ =	sfence  }
0xba: {  	s30 =	sld [smem:$0x0];
	_ =	sdelay $0x2  }
0xbb: {  	s31 =	sshll.u32 s1, $0xD;
	s1 =	sshrl.u32 s1, $0x2  }
0xbc: {  	s3 =	sand.u32 $0x4000, s31;
	s1 =	sadd.s32 s1, s30  }
0xbd: {  	s0 =	sor.u32 s3, s0;
	s1 =	sshll.u32 s1, $0x11  }
0xbe: {  	s0 =	sor.u32 s1, s0  }
0xbf: {  	s0 =	sadd.s32 $0x8F2B, s0  }
0xc0: {  	[sflag:s0] =	ssyncadd.remote.s32 $0x1  }
0xc1: {  	_ =	sfence.sel $0xFFFF  }
0xc2: {  	[dreg:$0x0] =	wrdreg $0xFFFFFFFF;
	(pc) =	sbr.abs _section_cstart, $3  }
0xc3: {  	[dreg:$0x1] =	wrdreg $0xFFFFFFFF  }
0xc4: {  	_ =	task.clear_ibuf [dreg:s9], $0x2FFFF;
	_ =	strace $0x9FFFFFFF  }
0xc5: {  	(tm) =	ssettm $0x7FFFFFFF  }
tec
execute0_lowered:
.L_overlay_start_1:
0x0: {  	(tag) =	ssettag $0x1  }
0x1: {  	s1 =	rddreg [dreg:$0x0]  }
0x2: {  	s2 =	rddreg [dreg:$0x1]  }
0x3: {  	s0 =	srdreg.scid;
	s3 =	rddreg [dreg:$0x2];
	s5 =	simm.s32 $0x0  }
0x4: {  	s4 =	stileid.u32;
	s9 =	simm.s32 $0x8000;
	s6 =	sand.u32 $0x1, s0  }
0x5: {  	s10 =	simm.s32 $0x0;
	s0 =	rddreg [dreg:$0x3];
	s7 =	ssub.s32 $0x2, s6  }
0x6: {  	[smem:$0x7FF] =	sst s5;
	s31 =	sshll.u32 s4, $0x10;
	s8 =	sshrl.u32 s7, $0x1  }
0x7: {  	s6 =	sshll.u32 s6, $0xF;
	_ =	strace $0x80000047;
	s7 =	ssub.s32 s7, s8  }
0x8: {  	s6 =	sor.u32 s6, s31;
	s8 =	simm.s32 $0x1;
	s7 =	smax.u32 s7, $0x1  }
.LBB2_1:
0x9: {  	s11 =	simm.s32 $0x0  }
.LBB2_2:
0xa: {  	s12 =	sshll.u32 s11, $0xC  }
0xb: {  	s12 =	sadd.s32 s6, s12  }
0xc: {  	s13 =	simm.s32 $0x0;
	s14 =	sadd.s32 s2, s12  }
0xd: {  	[tilespmem:s13], [sflag:$0x1] =	stream.linear.gather [hbm4b:s14+s13], $0x8000, $0x38;
	[tilespmem:$0x10000] =	vst v63  }
0xe: {  	_ =	swait.ge [sflag:s8], $0x8000  }
0xf: {  	[sflag:s8] =	ssyncset.done $0x0  }
0x10: {  	s31 =	sadd.s32 s1, s12;
	[sflag:s8] =	ssyncadd.s32 $0xFFFF8000  }
0x11: {  	[tilespmem:s9], [sflag:$0x1] =	stream.linear.gather [hbm4b:s31+s13], $0x8000, $0x38;
	[tilespmem:$0x10000] =	vst v63  }
0x12: {  	_ =	swait.ge [sflag:s8], $0x8000  }
0x13: {  	[sflag:s8] =	ssyncset.done $0x0  }
0x14: {  	s15 =	simm.s32 $0x0;
	s14 =	simm.s32 $0x0;
	[sflag:s8] =	ssyncadd.s32 $0xFFFF8000  }
.LBB2_3:
0x15: {  	s16 =	sshll.u32 s14, $0x2;
	s17 =	sand.u32 $0x7, s13  }
0x16: {  	s16 =	sand.u32 $0xFFFF8000, s16;
	s17 =	sshll.u32 s17, $0x9  }
0x17: {  	s16 =	sor.u32 s17, s16  }
0x18: {  	s17 =	sshrl.u32 s16, $0x2  }
0x19: {  	s16 =	sadd.s32 $0x8040, s17  }
0x1a: {  	s17 =	sor.u32 $0x40, s17;
	v0 =	vld [tilespmem:s16+$0xFFFFFFC0]  }
0x1b: {  	v1 =	vld [tilespmem:s17+$0xFFFFFFC0];
	_ =	sdelay $0x4  }
0x1c: {  	v0 =	vadd.f32 v1, v0;
	_ =	sdelay $0x1  }
0x1d: {  	[tilespmem:s16+$0xFFFFFFC0] =	vst v0;
	v0 =	vld [tilespmem:s16+$0xFFFFFFD0]  }
0x1e: {  	v1 =	vld [tilespmem:s17+$0xFFFFFFD0];
	_ =	sdelay $0x4  }
0x1f: {  	v0 =	vadd.f32 v1, v0;
	_ =	sdelay $0x1  }
0x20: {  	[tilespmem:s16+$0xFFFFFFD0] =	vst v0;
	v0 =	vld [tilespmem:s16+$0xFFFFFFE0]  }
0x21: {  	v1 =	vld [tilespmem:s17+$0xFFFFFFE0];
	_ =	sdelay $0x4  }
0x22: {  	v0 =	vadd.f32 v1, v0;
	_ =	sdelay $0x1  }
0x23: {  	[tilespmem:s16+$0xFFFFFFE0] =	vst v0;
	v0 =	vld [tilespmem:s16+$0xFFFFFFF0]  }
0x24: {  	v1 =	vld [tilespmem:s17+$0xFFFFFFF0];
	_ =	sdelay $0x4  }
0x25: {  	v0 =	vadd.f32 v1, v0;
	_ =	sdelay $0x1  }
0x26: {  	[tilespmem:s16+$0xFFFFFFF0] =	vst v0;
	v0 =	vld [tilespmem:s16+$0x0]  }
0x27: {  	v1 =	vld [tilespmem:s17+$0x0];
	_ =	sdelay $0x4  }
0x28: {  	v0 =	vadd.f32 v1, v0;
	_ =	sdelay $0x1  }
0x29: {  	[tilespmem:s16+$0x0] =	vst v0;
	v0 =	vld [tilespmem:s16+$0x10]  }
0x2a: {  	v1 =	vld [tilespmem:s17+$0x10];
	_ =	sdelay $0x4  }
0x2b: {  	v0 =	vadd.f32 v1, v0;
	_ =	sdelay $0x1  }
0x2c: {  	[tilespmem:s16+$0x10] =	vst v0;
	v0 =	vld [tilespmem:s16+$0x20]  }
0x2d: {  	v1 =	vld [tilespmem:s17+$0x20];
	_ =	sdelay $0x4  }
0x2e: {  	v0 =	vadd.f32 v1, v0;
	_ =	sdelay $0x1  }
0x2f: {  	[tilespmem:s16+$0x20] =	vst v0;
	v0 =	vld [tilespmem:s16+$0x30]  }
0x30: {  	v1 =	vld [tilespmem:s17+$0x30];
	_ =	sdelay $0x4  }
0x31: {  	v0 =	vadd.f32 v1, v0  }
0x32: {  	s18 =	simm.s32 $0x0;
	s19 =	sadd.s32 $0x400, s16  }
.LBB2_4:
0x33: {  	v1 =	vld [tilespmem:s19+$0xFFFFFFC0];
	[tilespmem:s16+$0x30] =	vst v0;
	s17 =	sadd.s32 $0x400, s17;
	s16 =	smov.u32 s19  }
0x34: {  	s18 =	sadd.s32 $0x8, s18;
	v0 =	vld [tilespmem:s17+$0xFFFFFFC0]  }
0x35: {  	p0 =	slt.u32 s18, $0x38;
	_ =	sdelay $0x3  }
0x36: {  	v0 =	vadd.f32 v0, v1;
	_ =	sdelay $0x1  }
0x37: {  	[tilespmem:s19+$0xFFFFFFC0] =	vst v0;
	v0 =	vld [tilespmem:s19+$0xFFFFFFD0]  }
0x38: {  	v1 =	vld [tilespmem:s17+$0xFFFFFFD0];
	_ =	sdelay $0x4  }
0x39: {  	v0 =	vadd.f32 v1, v0;
	_ =	sdelay $0x1  }
0x3a: {  	[tilespmem:s19+$0xFFFFFFD0] =	vst v0;
	v0 =	vld [tilespmem:s19+$0xFFFFFFE0]  }
0x3b: {  	v1 =	vld [tilespmem:s17+$0xFFFFFFE0];
	_ =	sdelay $0x4  }
0x3c: {  	v0 =	vadd.f32 v1, v0;
	_ =	sdelay $0x1  }
0x3d: {  	[tilespmem:s19+$0xFFFFFFE0] =	vst v0;
	v0 =	vld [tilespmem:s19+$0xFFFFFFF0]  }
0x3e: {  	v1 =	vld [tilespmem:s17+$0xFFFFFFF0];
	_ =	sdelay $0x4  }
0x3f: {  	v0 =	vadd.f32 v1, v0;
	_ =	sdelay $0x1  }
0x40: {  	[tilespmem:s19+$0xFFFFFFF0] =	vst v0;
	v0 =	vld [tilespmem:s19+$0x0]  }
0x41: {  	v1 =	vld [tilespmem:s17+$0x0];
	_ =	sdelay $0x4  }
0x42: {  	v0 =	vadd.f32 v1, v0;
	_ =	sdelay $0x1  }
0x43: {  	[tilespmem:s19+$0x0] =	vst v0;
	v0 =	vld [tilespmem:s19+$0x10]  }
0x44: {  	v1 =	vld [tilespmem:s17+$0x10];
	_ =	sdelay $0x4  }
0x45: {  	v0 =	vadd.f32 v1, v0;
	_ =	sdelay $0x1  }
0x46: {  	[tilespmem:s19+$0x10] =	vst v0;
	v0 =	vld [tilespmem:s19+$0x20]  }
0x47: {  	v1 =	vld [tilespmem:s17+$0x20];
	_ =	sdelay $0x4  }
0x48: {  	v0 =	vadd.f32 v1, v0;
	_ =	sdelay $0x1  }
0x49: {  	[tilespmem:s19+$0x20] =	vst v0;
	v0 =	vld [tilespmem:s19+$0x30]  }
0x4a: {  	v1 =	vld [tilespmem:s17+$0x30];
	_ =	sdelay $0x1  }
.Ltmp0:
0x4b: {  	(pc) =	sbr.rel @p0 .LBB2_4-.Ltmp0, $3  }
0x4c: {  	_ =	sdelay $0x1  }
0x4d: {  	v0 =	vadd.f32 v1, v0  }
0x4e: {  	s19 =	sadd.s32 $0x400, s19  }
0x4f: {  	s15 =	sadd.s32 $0x1, s15  }
0x50: {  	p0 =	sne.s32 s15, $0x20  }
.Ltmp1:
0x51: {  	_ = 	snop;
	(pc) =	sbr.rel @p0 .LBB2_3-.Ltmp1, $2  }
0x52: {  	_ =	sdelay $0x2  }
0x53: {  	[tilespmem:s16+$0x30] =	vst v0;
	s14 =	sadd.s32 $0x400, s14;
	s13 =	sadd.s32 $0x1, s13  }
0x54: {  	s14 =	sadd.s32 s3, s12;
	s13 =	simm.s32 $0x0  }
0x55: {  	[hbm4b:s14+s13] =	stream.linear.scatter [tilespmem:s9], [sflag:$0x1], $0x8000, $0x38;
	[tilespmem:$0x10000] =	vst v63  }
0x56: {  	_ =	swait.ge [sflag:s8], $0x8000  }
0x57: {  	s14 =	sor.u32 $0x100000, s12;
	[sflag:s8] =	ssyncset.done $0x0  }
0x58: {  	s15 =	sadd.s32 s1, s14;
	[sflag:s8] =	ssyncadd.s32 $0xFFFF8000  }
0x59: {  	[tilespmem:s9], [sflag:$0x1] =	stream.linear.gather [hbm4b:s15+s13], $0x8000, $0x38;
	[tilespmem:$0x10000] =	vst v63  }
0x5a: {  	_ =	swait.ge [sflag:s8], $0x8000  }
0x5b: {  	[sflag:s8] =	ssyncset.done $0x0  }
0x5c: {  	s16 =	simm.s32 $0x0;
	s15 =	simm.s32 $0x0;
	[sflag:s8] =	ssyncadd.s32 $0xFFFF8000  }
.LBB2_7:
0x5d: {  	s17 =	sshll.u32 s15, $0x2;
	s18 =	sand.u32 $0x7, s13  }
0x5e: {  	s17 =	sand.u32 $0xFFFF8000, s17;
	s18 =	sshll.u32 s18, $0x9  }
0x5f: {  	s17 =	sor.u32 s18, s17  }
0x60: {  	s18 =	sshrl.u32 s17, $0x2  }
0x61: {  	s17 =	sadd.s32 $0x8040, s18  }
0x62: {  	s18 =	sor.u32 $0x40, s18;
	v0 =	vld [tilespmem:s17+$0xFFFFFFC0]  }
0x63: {  	v1 =	vld [tilespmem:s18+$0xFFFFFFC0];
	_ =	sdelay $0x4  }
0x64: {  	v0 =	vadd.f32 v1, v0;
	_ =	sdelay $0x1  }
0x65: {  	[tilespmem:s17+$0xFFFFFFC0] =	vst v0;
	v0 =	vld [tilespmem:s17+$0xFFFFFFD0]  }
0x66: {  	v1 =	vld [tilespmem:s18+$0xFFFFFFD0];
	_ =	sdelay $0x4  }
0x67: {  	v0 =	vadd.f32 v1, v0;
	_ =	sdelay $0x1  }
0x68: {  	[tilespmem:s17+$0xFFFFFFD0] =	vst v0;
	v0 =	vld [tilespmem:s17+$0xFFFFFFE0]  }
0x69: {  	v1 =	vld [tilespmem:s18+$0xFFFFFFE0];
	_ =	sdelay $0x4  }
0x6a: {  	v0 =	vadd.f32 v1, v0;
	_ =	sdelay $0x1  }
0x6b: {  	[tilespmem:s17+$0xFFFFFFE0] =	vst v0;
	v0 =	vld [tilespmem:s17+$0xFFFFFFF0]  }
0x6c: {  	v1 =	vld [tilespmem:s18+$0xFFFFFFF0];
	_ =	sdelay $0x4  }
0x6d: {  	v0 =	vadd.f32 v1, v0;
	_ =	sdelay $0x1  }
0x6e: {  	[tilespmem:s17+$0xFFFFFFF0] =	vst v0;
	v0 =	vld [tilespmem:s17+$0x0]  }
0x6f: {  	v1 =	vld [tilespmem:s18+$0x0];
	_ =	sdelay $0x4  }
0x70: {  	v0 =	vadd.f32 v1, v0;
	_ =	sdelay $0x1  }
0x71: {  	[tilespmem:s17+$0x0] =	vst v0;
	v0 =	vld [tilespmem:s17+$0x10]  }
0x72: {  	v1 =	vld [tilespmem:s18+$0x10];
	_ =	sdelay $0x4  }
0x73: {  	v0 =	vadd.f32 v1, v0;
	_ =	sdelay $0x1  }
0x74: {  	[tilespmem:s17+$0x10] =	vst v0;
	v0 =	vld [tilespmem:s17+$0x20]  }
0x75: {  	v1 =	vld [tilespmem:s18+$0x20];
	_ =	sdelay $0x4  }
0x76: {  	v0 =	vadd.f32 v1, v0;
	_ =	sdelay $0x1  }
0x77: {  	[tilespmem:s17+$0x20] =	vst v0;
	v0 =	vld [tilespmem:s17+$0x30]  }
0x78: {  	v1 =	vld [tilespmem:s18+$0x30];
	_ =	sdelay $0x4  }
0x79: {  	v0 =	vadd.f32 v1, v0  }
0x7a: {  	s19 =	simm.s32 $0x0;
	s20 =	sadd.s32 $0x400, s17  }
.LBB2_8:
0x7b: {  	v1 =	vld [tilespmem:s20+$0xFFFFFFC0];
	[tilespmem:s17+$0x30] =	vst v0;
	s18 =	sadd.s32 $0x400, s18;
	s17 =	smov.u32 s20  }
0x7c: {  	s19 =	sadd.s32 $0x8, s19;
	v0 =	vld [tilespmem:s18+$0xFFFFFFC0]  }
0x7d: {  	p0 =	slt.u32 s19, $0x38;
	_ =	sdelay $0x3  }
0x7e: {  	v0 =	vadd.f32 v0, v1;
	_ =	sdelay $0x1  }
0x7f: {  	[tilespmem:s20+$0xFFFFFFC0] =	vst v0;
	v0 =	vld [tilespmem:s20+$0xFFFFFFD0]  }
0x80: {  	v1 =	vld [tilespmem:s18+$0xFFFFFFD0];
	_ =	sdelay $0x4  }
0x81: {  	v0 =	vadd.f32 v1, v0;
	_ =	sdelay $0x1  }
0x82: {  	[tilespmem:s20+$0xFFFFFFD0] =	vst v0;
	v0 =	vld [tilespmem:s20+$0xFFFFFFE0]  }
0x83: {  	v1 =	vld [tilespmem:s18+$0xFFFFFFE0];
	_ =	sdelay $0x4  }
0x84: {  	v0 =	vadd.f32 v1, v0;
	_ =	sdelay $0x1  }
0x85: {  	[tilespmem:s20+$0xFFFFFFE0] =	vst v0;
	v0 =	vld [tilespmem:s20+$0xFFFFFFF0]  }
0x86: {  	v1 =	vld [tilespmem:s18+$0xFFFFFFF0];
	_ =	sdelay $0x4  }
0x87: {  	v0 =	vadd.f32 v1, v0;
	_ =	sdelay $0x1  }
0x88: {  	[tilespmem:s20+$0xFFFFFFF0] =	vst v0;
	v0 =	vld [tilespmem:s20+$0x0]  }
0x89: {  	v1 =	vld [tilespmem:s18+$0x0];
	_ =	sdelay $0x4  }
0x8a: {  	v0 =	vadd.f32 v1, v0;
	_ =	sdelay $0x1  }
0x8b: {  	[tilespmem:s20+$0x0] =	vst v0;
	v0 =	vld [tilespmem:s20+$0x10]  }
0x8c: {  	v1 =	vld [tilespmem:s18+$0x10];
	_ =	sdelay $0x4  }
0x8d: {  	v0 =	vadd.f32 v1, v0;
	_ =	sdelay $0x1  }
0x8e: {  	[tilespmem:s20+$0x10] =	vst v0;
	v0 =	vld [tilespmem:s20+$0x20]  }
0x8f: {  	v1 =	vld [tilespmem:s18+$0x20];
	_ =	sdelay $0x4  }
0x90: {  	v0 =	vadd.f32 v1, v0;
	_ =	sdelay $0x1  }
0x91: {  	[tilespmem:s20+$0x20] =	vst v0;
	v0 =	vld [tilespmem:s20+$0x30]  }
0x92: {  	v1 =	vld [tilespmem:s18+$0x30];
	_ =	sdelay $0x1  }
.Ltmp2:
0x93: {  	(pc) =	sbr.rel @p0 .LBB2_8-.Ltmp2, $3  }
0x94: {  	_ =	sdelay $0x1  }
0x95: {  	v0 =	vadd.f32 v1, v0  }
0x96: {  	s20 =	sadd.s32 $0x400, s20  }
0x97: {  	s16 =	sadd.s32 $0x1, s16  }
0x98: {  	p0 =	sne.s32 s16, $0x20  }
.Ltmp3:
0x99: {  	_ = 	snop;
	(pc) =	sbr.rel @p0 .LBB2_7-.Ltmp3, $2  }
0x9a: {  	_ =	sdelay $0x2  }
0x9b: {  	[tilespmem:s17+$0x30] =	vst v0;
	s15 =	sadd.s32 $0x400, s15;
	s13 =	sadd.s32 $0x1, s13  }
0x9c: {  	s14 =	sadd.s32 s3, s14;
	s13 =	simm.s32 $0x0  }
0x9d: {  	[hbm4b:s14+s13] =	stream.linear.scatter [tilespmem:s9], [sflag:$0x1], $0x8000, $0x38;
	[tilespmem:$0x10000] =	vst v63  }
0x9e: {  	_ =	swait.ge [sflag:s8], $0x8000  }
0x9f: {  	s14 =	sor.u32 $0x200000, s12;
	[sflag:s8] =	ssyncset.done $0x0  }
0xa0: {  	s15 =	sadd.s32 s1, s14;
	[sflag:s8] =	ssyncadd.s32 $0xFFFF8000  }
0xa1: {  	[tilespmem:s9], [sflag:$0x1] =	stream.linear.gather [hbm4b:s15+s13], $0x8000, $0x38;
	[tilespmem:$0x10000] =	vst v63  }
0xa2: {  	_ =	swait.ge [sflag:s8], $0x8000  }
0xa3: {  	[sflag:s8] =	ssyncset.done $0x0  }
0xa4: {  	s16 =	simm.s32 $0x0;
	s15 =	simm.s32 $0x0;
	[sflag:s8] =	ssyncadd.s32 $0xFFFF8000  }
.LBB2_11:
0xa5: {  	s17 =	sshll.u32 s15, $0x2;
	s18 =	sand.u32 $0x7, s13  }
0xa6: {  	s17 =	sand.u32 $0xFFFF8000, s17;
	s18 =	sshll.u32 s18, $0x9  }
0xa7: {  	s17 =	sor.u32 s18, s17  }
0xa8: {  	s18 =	sshrl.u32 s17, $0x2  }
0xa9: {  	s17 =	sadd.s32 $0x8040, s18  }
0xaa: {  	s18 =	sor.u32 $0x40, s18;
	v0 =	vld [tilespmem:s17+$0xFFFFFFC0]  }
0xab: {  	v1 =	vld [tilespmem:s18+$0xFFFFFFC0];
	_ =	sdelay $0x4  }
0xac: {  	v0 =	vadd.f32 v1, v0;
	_ =	sdelay $0x1  }
0xad: {  	[tilespmem:s17+$0xFFFFFFC0] =	vst v0;
	v0 =	vld [tilespmem:s17+$0xFFFFFFD0]  }
0xae: {  	v1 =	vld [tilespmem:s18+$0xFFFFFFD0];
	_ =	sdelay $0x4  }
0xaf: {  	v0 =	vadd.f32 v1, v0;
	_ =	sdelay $0x1  }
0xb0: {  	[tilespmem:s17+$0xFFFFFFD0] =	vst v0;
	v0 =	vld [tilespmem:s17+$0xFFFFFFE0]  }
0xb1: {  	v1 =	vld [tilespmem:s18+$0xFFFFFFE0];
	_ =	sdelay $0x4  }
0xb2: {  	v0 =	vadd.f32 v1, v0;
	_ =	sdelay $0x1  }
0xb3: {  	[tilespmem:s17+$0xFFFFFFE0] =	vst v0;
	v0 =	vld [tilespmem:s17+$0xFFFFFFF0]  }
0xb4: {  	v1 =	vld [tilespmem:s18+$0xFFFFFFF0];
	_ =	sdelay $0x4  }
0xb5: {  	v0 =	vadd.f32 v1, v0;
	_ =	sdelay $0x1  }
0xb6: {  	[tilespmem:s17+$0xFFFFFFF0] =	vst v0;
	v0 =	vld [tilespmem:s17+$0x0]  }
0xb7: {  	v1 =	vld [tilespmem:s18+$0x0];
	_ =	sdelay $0x4  }
0xb8: {  	v0 =	vadd.f32 v1, v0;
	_ =	sdelay $0x1  }
0xb9: {  	[tilespmem:s17+$0x0] =	vst v0;
	v0 =	vld [tilespmem:s17+$0x10]  }
0xba: {  	v1 =	vld [tilespmem:s18+$0x10];
	_ =	sdelay $0x4  }
0xbb: {  	v0 =	vadd.f32 v1, v0;
	_ =	sdelay $0x1  }
0xbc: {  	[tilespmem:s17+$0x10] =	vst v0;
	v0 =	vld [tilespmem:s17+$0x20]  }
0xbd: {  	v1 =	vld [tilespmem:s18+$0x20];
	_ =	sdelay $0x4  }
0xbe: {  	v0 =	vadd.f32 v1, v0;
	_ =	sdelay $0x1  }
0xbf: {  	[tilespmem:s17+$0x20] =	vst v0;
	v0 =	vld [tilespmem:s17+$0x30]  }
0xc0: {  	v1 =	vld [tilespmem:s18+$0x30];
	_ =	sdelay $0x4  }
0xc1: {  	v0 =	vadd.f32 v1, v0  }
0xc2: {  	s19 =	simm.s32 $0x0;
	s20 =	sadd.s32 $0x400, s17  }
.LBB2_12:
0xc3: {  	v1 =	vld [tilespmem:s20+$0xFFFFFFC0];
	[tilespmem:s17+$0x30] =	vst v0;
	s18 =	sadd.s32 $0x400, s18;
	s17 =	smov.u32 s20  }
0xc4: {  	s19 =	sadd.s32 $0x8, s19;
	v0 =	vld [tilespmem:s18+$0xFFFFFFC0]  }
0xc5: {  	p0 =	slt.u32 s19, $0x38;
	_ =	sdelay $0x3  }
0xc6: {  	v0 =	vadd.f32 v0, v1;
	_ =	sdelay $0x1  }
0xc7: {  	[tilespmem:s20+$0xFFFFFFC0] =	vst v0;
	v0 =	vld [tilespmem:s20+$0xFFFFFFD0]  }
0xc8: {  	v1 =	vld [tilespmem:s18+$0xFFFFFFD0];
	_ =	sdelay $0x4  }
0xc9: {  	v0 =	vadd.f32 v1, v0;
	_ =	sdelay $0x1  }
0xca: {  	[tilespmem:s20+$0xFFFFFFD0] =	vst v0;
	v0 =	vld [tilespmem:s20+$0xFFFFFFE0]  }
0xcb: {  	v1 =	vld [tilespmem:s18+$0xFFFFFFE0];
	_ =	sdelay $0x4  }
0xcc: {  	v0 =	vadd.f32 v1, v0;
	_ =	sdelay $0x1  }
0xcd: {  	[tilespmem:s20+$0xFFFFFFE0] =	vst v0;
	v0 =	vld [tilespmem:s20+$0xFFFFFFF0]  }
0xce: {  	v1 =	vld [tilespmem:s18+$0xFFFFFFF0];
	_ =	sdelay $0x4  }
0xcf: {  	v0 =	vadd.f32 v1, v0;
	_ =	sdelay $0x1  }
0xd0: {  	[tilespmem:s20+$0xFFFFFFF0] =	vst v0;
	v0 =	vld [tilespmem:s20+$0x0]  }
0xd1: {  	v1 =	vld [tilespmem:s18+$0x0];
	_ =	sdelay $0x4  }
0xd2: {  	v0 =	vadd.f32 v1, v0;
	_ =	sdelay $0x1  }
0xd3: {  	[tilespmem:s20+$0x0] =	vst v0;
	v0 =	vld [tilespmem:s20+$0x10]  }
0xd4: {  	v1 =	vld [tilespmem:s18+$0x10];
	_ =	sdelay $0x4  }
0xd5: {  	v0 =	vadd.f32 v1, v0;
	_ =	sdelay $0x1  }
0xd6: {  	[tilespmem:s20+$0x10] =	vst v0;
	v0 =	vld [tilespmem:s20+$0x20]  }
0xd7: {  	v1 =	vld [tilespmem:s18+$0x20];
	_ =	sdelay $0x4  }
0xd8: {  	v0 =	vadd.f32 v1, v0;
	_ =	sdelay $0x1  }
0xd9: {  	[tilespmem:s20+$0x20] =	vst v0;
	v0 =	vld [tilespmem:s20+$0x30]  }
0xda: {  	v1 =	vld [tilespmem:s18+$0x30];
	_ =	sdelay $0x1  }
.Ltmp4:
0xdb: {  	(pc) =	sbr.rel @p0 .LBB2_12-.Ltmp4, $3  }
0xdc: {  	_ =	sdelay $0x1  }
0xdd: {  	v0 =	vadd.f32 v1, v0  }
0xde: {  	s20 =	sadd.s32 $0x400, s20  }
0xdf: {  	s16 =	sadd.s32 $0x1, s16  }
0xe0: {  	p0 =	sne.s32 s16, $0x20  }
.Ltmp5:
0xe1: {  	_ = 	snop;
	(pc) =	sbr.rel @p0 .LBB2_11-.Ltmp5, $2  }
0xe2: {  	_ =	sdelay $0x2  }
0xe3: {  	[tilespmem:s17+$0x30] =	vst v0;
	s15 =	sadd.s32 $0x400, s15;
	s13 =	sadd.s32 $0x1, s13  }
0xe4: {  	s14 =	sadd.s32 s3, s14;
	s13 =	simm.s32 $0x0  }
0xe5: {  	[hbm4b:s14+s13] =	stream.linear.scatter [tilespmem:s9], [sflag:$0x1], $0x8000, $0x38;
	[tilespmem:$0x10000] =	vst v63  }
0xe6: {  	_ =	swait.ge [sflag:s8], $0x8000  }
0xe7: {  	s12 =	sor.u32 $0x300000, s12;
	[sflag:s8] =	ssyncset.done $0x0  }
0xe8: {  	s31 =	sadd.s32 s1, s12;
	[sflag:s8] =	ssyncadd.s32 $0xFFFF8000  }
0xe9: {  	[tilespmem:s9], [sflag:$0x1] =	stream.linear.gather [hbm4b:s31+s13], $0x8000, $0x38;
	[tilespmem:$0x10000] =	vst v63  }
0xea: {  	_ =	swait.ge [sflag:s8], $0x8000  }
0xeb: {  	[sflag:s8] =	ssyncset.done $0x0  }
0xec: {  	s15 =	simm.s32 $0x0;
	s14 =	simm.s32 $0x0;
	[sflag:s8] =	ssyncadd.s32 $0xFFFF8000  }
.LBB2_15:
0xed: {  	s16 =	sshll.u32 s14, $0x2;
	s17 =	sand.u32 $0x7, s13  }
0xee: {  	s16 =	sand.u32 $0xFFFF8000, s16;
	s17 =	sshll.u32 s17, $0x9  }
0xef: {  	s16 =	sor.u32 s17, s16  }
0xf0: {  	s17 =	sshrl.u32 s16, $0x2  }
0xf1: {  	s16 =	sadd.s32 $0x8040, s17  }
0xf2: {  	s17 =	sor.u32 $0x40, s17;
	v0 =	vld [tilespmem:s16+$0xFFFFFFC0]  }
0xf3: {  	v1 =	vld [tilespmem:s17+$0xFFFFFFC0];
	_ =	sdelay $0x4  }
0xf4: {  	v0 =	vadd.f32 v1, v0;
	_ =	sdelay $0x1  }
0xf5: {  	[tilespmem:s16+$0xFFFFFFC0] =	vst v0;
	v0 =	vld [tilespmem:s16+$0xFFFFFFD0]  }
0xf6: {  	v1 =	vld [tilespmem:s17+$0xFFFFFFD0];
	_ =	sdelay $0x4  }
0xf7: {  	v0 =	vadd.f32 v1, v0;
	_ =	sdelay $0x1  }
0xf8: {  	[tilespmem:s16+$0xFFFFFFD0] =	vst v0;
	v0 =	vld [tilespmem:s16+$0xFFFFFFE0]  }
0xf9: {  	v1 =	vld [tilespmem:s17+$0xFFFFFFE0];
	_ =	sdelay $0x4  }
0xfa: {  	v0 =	vadd.f32 v1, v0;
	_ =	sdelay $0x1  }
0xfb: {  	[tilespmem:s16+$0xFFFFFFE0] =	vst v0;
	v0 =	vld [tilespmem:s16+$0xFFFFFFF0]  }
0xfc: {  	v1 =	vld [tilespmem:s17+$0xFFFFFFF0];
	_ =	sdelay $0x4  }
0xfd: {  	v0 =	vadd.f32 v1, v0;
	_ =	sdelay $0x1  }
0xfe: {  	[tilespmem:s16+$0xFFFFFFF0] =	vst v0;
	v0 =	vld [tilespmem:s16+$0x0]  }
0xff: {  	v1 =	vld [tilespmem:s17+$0x0];
	_ =	sdelay $0x4  }
0x100: {  	v0 =	vadd.f32 v1, v0;
	_ =	sdelay $0x1  }
0x101: {  	[tilespmem:s16+$0x0] =	vst v0;
	v0 =	vld [tilespmem:s16+$0x10]  }
0x102: {  	v1 =	vld [tilespmem:s17+$0x10];
	_ =	sdelay $0x4  }
0x103: {  	v0 =	vadd.f32 v1, v0;
	_ =	sdelay $0x1  }
0x104: {  	[tilespmem:s16+$0x10] =	vst v0;
	v0 =	vld [tilespmem:s16+$0x20]  }
0x105: {  	v1 =	vld [tilespmem:s17+$0x20];
	_ =	sdelay $0x4  }
0x106: {  	v0 =	vadd.f32 v1, v0;
	_ =	sdelay $0x1  }
0x107: {  	[tilespmem:s16+$0x20] =	vst v0;
	v0 =	vld [tilespmem:s16+$0x30]  }
0x108: {  	v1 =	vld [tilespmem:s17+$0x30];
	_ =	sdelay $0x4  }
0x109: {  	v0 =	vadd.f32 v1, v0  }
0x10a: {  	s18 =	simm.s32 $0x0;
	s19 =	sadd.s32 $0x400, s16  }
.LBB2_16:
0x10b: {  	v1 =	vld [tilespmem:s19+$0xFFFFFFC0];
	[tilespmem:s16+$0x30] =	vst v0;
	s17 =	sadd.s32 $0x400, s17;
	s16 =	smov.u32 s19  }
0x10c: {  	s18 =	sadd.s32 $0x8, s18;
	v0 =	vld [tilespmem:s17+$0xFFFFFFC0]  }
0x10d: {  	p0 =	slt.u32 s18, $0x38;
	_ =	sdelay $0x3  }
0x10e: {  	v0 =	vadd.f32 v0, v1;
	_ =	sdelay $0x1  }
0x10f: {  	[tilespmem:s19+$0xFFFFFFC0] =	vst v0;
	v0 =	vld [tilespmem:s19+$0xFFFFFFD0]  }
0x110: {  	v1 =	vld [tilespmem:s17+$0xFFFFFFD0];
	_ =	sdelay $0x4  }
0x111: {  	v0 =	vadd.f32 v1, v0;
	_ =	sdelay $0x1  }
0x112: {  	[tilespmem:s19+$0xFFFFFFD0] =	vst v0;
	v0 =	vld [tilespmem:s19+$0xFFFFFFE0]  }
0x113: {  	v1 =	vld [tilespmem:s17+$0xFFFFFFE0];
	_ =	sdelay $0x4  }
0x114: {  	v0 =	vadd.f32 v1, v0;
	_ =	sdelay $0x1  }
0x115: {  	[tilespmem:s19+$0xFFFFFFE0] =	vst v0;
	v0 =	vld [tilespmem:s19+$0xFFFFFFF0]  }
0x116: {  	v1 =	vld [tilespmem:s17+$0xFFFFFFF0];
	_ =	sdelay $0x4  }
0x117: {  	v0 =	vadd.f32 v1, v0;
	_ =	sdelay $0x1  }
0x118: {  	[tilespmem:s19+$0xFFFFFFF0] =	vst v0;
	v0 =	vld [tilespmem:s19+$0x0]  }
0x119: {  	v1 =	vld [tilespmem:s17+$0x0];
	_ =	sdelay $0x4  }
0x11a: {  	v0 =	vadd.f32 v1, v0;
	_ =	sdelay $0x1  }
0x11b: {  	[tilespmem:s19+$0x0] =	vst v0;
	v0 =	vld [tilespmem:s19+$0x10]  }
0x11c: {  	v1 =	vld [tilespmem:s17+$0x10];
	_ =	sdelay $0x4  }
0x11d: {  	v0 =	vadd.f32 v1, v0;
	_ =	sdelay $0x1  }
0x11e: {  	[tilespmem:s19+$0x10] =	vst v0;
	v0 =	vld [tilespmem:s19+$0x20]  }
0x11f: {  	v1 =	vld [tilespmem:s17+$0x20];
	_ =	sdelay $0x4  }
0x120: {  	v0 =	vadd.f32 v1, v0;
	_ =	sdelay $0x1  }
0x121: {  	[tilespmem:s19+$0x20] =	vst v0;
	v0 =	vld [tilespmem:s19+$0x30]  }
0x122: {  	v1 =	vld [tilespmem:s17+$0x30];
	_ =	sdelay $0x1  }
.Ltmp6:
0x123: {  	(pc) =	sbr.rel @p0 .LBB2_16-.Ltmp6, $3  }
0x124: {  	_ =	sdelay $0x1  }
0x125: {  	v0 =	vadd.f32 v1, v0  }
0x126: {  	s19 =	sadd.s32 $0x400, s19  }
0x127: {  	s15 =	sadd.s32 $0x1, s15  }
0x128: {  	p0 =	sne.s32 s15, $0x20  }
.Ltmp7:
0x129: {  	_ = 	snop;
	(pc) =	sbr.rel @p0 .LBB2_15-.Ltmp7, $2  }
0x12a: {  	_ =	sdelay $0x2  }
0x12b: {  	[tilespmem:s16+$0x30] =	vst v0;
	s14 =	sadd.s32 $0x400, s14;
	s13 =	sadd.s32 $0x1, s13  }
0x12c: {  	s11 =	sadd.s32 $0x1, s11  }
0x12d: {  	p0 =	sne.s32 s11, $0x8  }
.Ltmp8:
0x12e: {  	s12 =	sadd.s32 s3, s12;
	(pc) =	sbr.rel @p0 .LBB2_2-.Ltmp8, $4  }
0x12f: {  	[hbm4b:s12+s5] =	stream.linear.scatter [tilespmem:s9], [sflag:$0x1], $0x8000, $0x38;
	[tilespmem:$0x10000] =	vst v63  }
0x130: {  	_ =	swait.ge [sflag:s8], $0x8000  }
0x131: {  	[sflag:s8] =	ssyncset.done $0x0  }
0x132: {  	[sflag:s8] =	ssyncadd.s32 $0xFFFF8000  }
0x133: {  	s10 =	sadd.s32 $0x1, s10  }
0x134: {  	p0 =	sne.s32 s10, s7  }
.Ltmp9:
0x135: {  	_ = 	snop;
	(pc) =	sbr.rel @p0 .LBB2_1-.Ltmp9, $1  }
0x136: {  	_ =	sdelay $0x3  }
0x137: {  	_ =	sfence.sel $0x180000  }
0x138: {  	[bflag:$0x0] =	sbarrier.arrive $0xFFFF  }
0x139: {  	p0 =	sne.s32 s4, $0x0;
	_ =	strace $0x90000047  }
0x13a: {  	s0 =	sadd.s32 @!p0 $0x100000, s0;
	[bflag:$0x2] =	sbarrier.arrive $0xFFFF  }
0x13b: {  	[sflag:s0] =	ssyncadd.tile.s32 @!p0 $0x1;
	_ =	shalt  }
.Lfunc_end2:
_tile_overlayer_lowered:
.L_overlay_start_2:
0x13c: {  	(tag) =	ssettag $0x2  }
0x13d: {  	s0 =	rddreg [dreg:$0x0];
	s2 =	stileid.u32  }
0x13e: {  	s1 =	rddreg [dreg:$0x1];
	p0 =	sne.s32 s2, $0x0  }
0x13f: {  	s3 =	rddreg [dreg:$0x2];
	[bflag:$0x3] =	sbarrier.arrive $0xFFFF;
	s2 =	simm.s32 @!p0 $0x1C01  }
0x140: {  	[timem:s3], [sflag:s2] =	dma.local @!p0 [hbm:s0], s1  }
0x141: {  	s0 =	simm.s32 @!p0 $0x1  }
0x142: {  	_ =	swait.ge @!p0 [sflag:s0], s1  }
0x143: {  	s1 =	ssub.s32 @!p0 $0x0, s1;
	[sflag:s0] =	ssyncset.done @!p0 $0x0  }
0x144: {  	[sflag:s0] =	ssyncadd.s32 @!p0 s1  }
0x145: {  	[bflag:$0x3] =	sbarrier.arrive $0xFFFF  }
0x146: {  	_ =	shalt  }

</sc_bundles>
